<compile_context>
chip_gen: v7x
topology: tpu7x:2x2x1
jax: 0.10.2.dev20260603
libtpu: 0.0.44.dev20260713+nightly
codegen_flags: <defaults>
</compile_context>

<pallas_src>
import functools

import jax
import jax.numpy as jnp
from jax import lax
from jax.experimental import pallas as pl
from jax.experimental.pallas import tpu as pltpu
from jax.experimental.pallas import tpu_sc as plsc

VOCAB = 1000
VPAD = 1024
NC = 2
NS = 16
NW = NC * NS


def _sc_gather(idx4, table_p, b, t, tp):
    nb = b // NW
    mesh = plsc.VectorSubcoreMesh(core_axis_name="c", subcore_axis_name="s")

    @functools.partial(
        pl.kernel,
        mesh=mesh,
        out_type=jax.ShapeDtypeStruct((b, t, VOCAB), jnp.float32),
        scratch_types=[
            pltpu.VMEM((1, tp), jnp.int32),
            pltpu.VMEM((tp, VPAD), jnp.float32),
            pltpu.VMEM((t, VOCAB), jnp.float32),
            pltpu.SemaphoreType.DMA,
            pltpu.SemaphoreType.DMA,
            pltpu.SemaphoreType.DMA,
        ],
    )
    def k(idx_hbm, table_hbm, out_hbm, idx_v, gbuf, abuf, gsem, osem, isem):
        wid = lax.axis_index("s") * NC + lax.axis_index("c")
        base = wid * nb

        def gather_wait():
            pltpu.make_async_copy(table_hbm.at[idx_v.at[0]], gbuf, gsem).wait()

        def out_wait(bb):
            pltpu.make_async_copy(abuf, out_hbm.at[bb], osem).wait()

        pltpu.sync_copy(idx_hbm.at[base], idx_v)
        pltpu.async_copy(table_hbm.at[idx_v.at[0]], gbuf, gsem)

        def body(g, _):
            bb = base + g
            gather_wait()

            @pl.when(g < nb - 1)
            def _():
                pltpu.async_copy(idx_hbm.at[bb + 1], idx_v, isem)

            @pl.when(g > 0)
            def _():
                out_wait(bb - 1)

            def stitch(r, _):
                for off in [16 * j for j in range(62)] + [VOCAB - 16]:
                    abuf[r, pl.ds(off, 16)] = gbuf[r, pl.ds(off, 16)]
                return 0

            lax.fori_loop(0, t, stitch, 0)
            pltpu.async_copy(abuf, out_hbm.at[bb], osem)

            @pl.when(g < nb - 1)
            def _():
                pltpu.make_async_copy(idx_hbm.at[bb + 1], idx_v, isem).wait()
                pltpu.async_copy(table_hbm.at[idx_v.at[0]], gbuf, gsem)

            return 0

        lax.fori_loop(0, nb, body, 0)
        out_wait(base + nb - 1)

    return k(idx4, table_p)


PLANES_PER_STEP = 64


def _tc_gather(idx2, table, b, t):
    nv, nvv = table.shape

    def body(idx_sref, table_ref, out_ref):
        i = pl.program_id(0)

        def plane(p, _):
            def row(r, _):
                s = idx_sref[(i * PLANES_PER_STEP + p) * t + r]
                out_ref[p, pl.ds(r, 1), :] = table_ref[pl.ds(s, 1), :]
                return 0

            lax.fori_loop(0, t, row, 0)
            return 0

        lax.fori_loop(0, PLANES_PER_STEP, plane, 0)

    grid_spec = pltpu.PrefetchScalarGridSpec(
        num_scalar_prefetch=1,
        grid=(b // PLANES_PER_STEP,),
        in_specs=[pl.BlockSpec((nv, nvv), lambda i, idx_s: (0, 0))],
        out_specs=pl.BlockSpec(
            (PLANES_PER_STEP, t, nvv), lambda i, idx_s: (i, 0, 0)),
    )
    return pl.pallas_call(
        body,
        grid_spec=grid_spec,
        out_shape=jax.ShapeDtypeStruct((b, t, nvv), jnp.float32),
    )(idx2.reshape(-1), table)


def kernel(idx, table):
    b, t = idx.shape
    bs = b // 2
    tp = (t + 7) // 8 * 8
    idx4 = jnp.pad(idx[:bs].reshape(bs, 1, t), ((0, 0), (0, 0), (0, tp - t)))
    table_p = jnp.pad(table, ((0, 0), (0, VPAD - VOCAB)))
    out_a = _sc_gather(idx4, table_p, bs, t, tp)
    out_b = _tc_gather(idx[bs:], table, b - bs, t)
    return jnp.concatenate([out_a, out_b], axis=0)

# --- scband reference (transcript-rebuilt; emitter-appended) ---
"""Pipeline reference for scband-bigram-84301618086007 (READ-ONLY COPY).

The authoritative reference and input builder live on the scoring server;
editing this copy changes nothing except your own understanding.
"""

import jax, jax.numpy as jnp
import numpy as np

VOCAB = 1000
B = 1024
T = 50

def setup_inputs(seed: int = 0) -> dict:
    key = jax.random.key(seed)
    k_idx, k_tab = jax.random.split(key)
    idx = jax.random.randint(k_idx, (B, T), 0, VOCAB, dtype=jnp.int32)
    # learned parameter: token embedding table [vocab_size, vocab_size]
    table = jax.random.normal(k_tab, (VOCAB, VOCAB), dtype=jnp.float32)
    return {"idx": idx, "table": table}

def reference(idx, table):
    # Bigram.forward with targets=None: logits = token_embedding_table(idx)
    logits = jnp.take(table, idx, axis=0)  # [B, T, VOCAB]
    return logits

if __name__ == "__main__":
    import jax
    _d = setup_inputs()
    print(jax.jit(kernel)(*tuple(_d.values())))

</pallas_src>

<mosaic_0001>
#map = affine_map<(d0, d1) -> (0, 0, 0)>
#map1 = affine_map<(d0, d1) -> (0, 0)>
module attributes {stable_mosaic.version = 14 : i64} {
  func.func @k(%arg0: i32, %arg1: i32, %arg2: memref<512x1x56xi32, #tpu.memory_space<hbm>>, %arg3: memref<1000x1024xf32, #tpu.memory_space<hbm>>, %arg4: memref<512x50x1000xf32, #tpu.memory_space<hbm>>, %arg5: memref<1x56xi32, #tpu.memory_space<vmem>>, %arg6: memref<56x1024xf32, #tpu.memory_space<vmem>>, %arg7: memref<50x1000xf32, #tpu.memory_space<vmem>>, %arg8: memref<!tpu.dma_semaphore, #tpu.memory_space<semaphore_mem>>, %arg9: memref<!tpu.dma_semaphore, #tpu.memory_space<semaphore_mem>>, %arg10: memref<!tpu.dma_semaphore, #tpu.memory_space<semaphore_mem>>) attributes {dimension_semantics = [#tpu.dimension_semantics<core_parallel>, #tpu.dimension_semantics<subcore_parallel>], iteration_bounds = array<i64: 2, 16>, scalar_prefetch = 0 : i64, scratch_operands = 6 : i64, tpu.core_type = #tpu.core_type<sc_vector_subcore>, window_params = [{transform_indices = #map}, {transform_indices = #map1}, {transform_indices = #map}]} {
    %mul3A = arith.constant 2 : i32
    %mul3A_0 = arith.muli %arg1, %mul3A : i32
    %add3A = arith.addi %mul3A_0, %arg0 : i32
    %mul3A_1 = arith.constant 16 : i32
    %mul3A_2 = arith.muli %add3A, %mul3A_1 : i32
    "tpu.region"() ({
      %run_scoped3A = tpu.sem_alloc : memref<!tpu.dma_semaphore, #tpu.memory_space<semaphore_mem>>
      %dma_start3A_25 = arith.constant 0 : i32
      %dma_start3A_26 = arith.constant 0 : i32
      %dma_start3A_27 = tpu.memref_slice %arg2[%mul3A_2, %dma_start3A_25, %dma_start3A_26] : memref<512x1x56xi32, #tpu.memory_space<hbm>> -> memref<1x1x56xi32, #tpu.memory_space<hbm>>
      %dma_start3A_28 = tpu.memref_squeeze %dma_start3A_27 : memref<1x1x56xi32, #tpu.memory_space<hbm>> -> memref<1x56xi32, #tpu.memory_space<hbm>>
      %dma_start3A_29 = arith.constant 0 : i32
      %dma_start3A_30 = arith.constant 0 : i32
      %dma_start3A_31 = tpu.memref_slice %arg2[%mul3A_2, %dma_start3A_29, %dma_start3A_30] : memref<512x1x56xi32, #tpu.memory_space<hbm>> -> memref<1x1x56xi32, #tpu.memory_space<hbm>>
      %dma_start3A_32 = tpu.memref_squeeze %dma_start3A_31 : memref<1x1x56xi32, #tpu.memory_space<hbm>> -> memref<1x56xi32, #tpu.memory_space<hbm>>
      tpu.enqueue_dma source(%dma_start3A_32 : memref<1x56xi32, #tpu.memory_space<hbm>>) target(%arg5 : memref<1x56xi32, #tpu.memory_space<vmem>>) target_semaphore(%run_scoped3A : memref<!tpu.dma_semaphore, #tpu.memory_space<semaphore_mem>>)
      %dma_wait3A_33 = arith.constant 0 : i32
      %dma_wait3A_34 = arith.constant 0 : i32
      %dma_wait3A_35 = tpu.memref_slice %arg2[%mul3A_2, %dma_wait3A_33, %dma_wait3A_34] : memref<512x1x56xi32, #tpu.memory_space<hbm>> -> memref<1x1x56xi32, #tpu.memory_space<hbm>>
      %dma_wait3A_36 = tpu.memref_squeeze %dma_wait3A_35 : memref<1x1x56xi32, #tpu.memory_space<hbm>> -> memref<1x56xi32, #tpu.memory_space<hbm>>
      %dma_wait3A_37 = arith.constant 0 : i32
      %dma_wait3A_38 = arith.constant 0 : i32
      %dma_wait3A_39 = tpu.memref_slice %arg2[%mul3A_2, %dma_wait3A_37, %dma_wait3A_38] : memref<512x1x56xi32, #tpu.memory_space<hbm>> -> memref<1x1x56xi32, #tpu.memory_space<hbm>>
      %dma_wait3A_40 = tpu.memref_squeeze %dma_wait3A_39 : memref<1x1x56xi32, #tpu.memory_space<hbm>> -> memref<1x56xi32, #tpu.memory_space<hbm>>
      tpu.wait_dma2 semaphore(%run_scoped3A : memref<!tpu.dma_semaphore, #tpu.memory_space<semaphore_mem>>) src(%dma_wait3A_40 : memref<1x56xi32, #tpu.memory_space<hbm>>) dst(%arg5 : memref<1x56xi32, #tpu.memory_space<vmem>>)
      tpu.yield
    }) : () -> ()
    %dma_start3A = arith.constant 0 : i32
    %dma_start3A_3 = arith.constant 0 : i32
    %dma_start3A_4 = tpu.memref_slice %arg5[%dma_start3A, %dma_start3A_3] : memref<1x56xi32, #tpu.memory_space<vmem>> -> memref<1x56xi32, #tpu.memory_space<vmem>>
    %dma_start3A_5 = tpu.memref_squeeze %dma_start3A_4 : memref<1x56xi32, #tpu.memory_space<vmem>> -> memref<56xi32, #tpu.memory_space<vmem>>
    %dma_start3A_6 = arith.constant 0 : i32
    %dma_start3A_7 = arith.constant 0 : i32
    %dma_start3A_8 = tpu.memref_slice %arg3[%dma_start3A_6, %dma_start3A_7] : memref<1000x1024xf32, #tpu.memory_space<hbm>> -> memref<1000x1024xf32, #tpu.memory_space<hbm>>
    tpu.enqueue_indirect_dma source(%dma_start3A_8 : memref<1000x1024xf32, #tpu.memory_space<hbm>>) target(%arg6 : memref<56x1024xf32, #tpu.memory_space<vmem>>) offsets(%dma_start3A_5 : memref<56xi32, #tpu.memory_space<vmem>>) semaphore(%arg8 : memref<!tpu.dma_semaphore, #tpu.memory_space<semaphore_mem>>)
    %scan3A = arith.constant 0 : i32
    %scan3A_9 = arith.constant 0 : i32
    %scan3A_10 = arith.constant 16 : i32
    %scan3A_11 = arith.addi %scan3A_9, %scan3A_10 : i32
    %scan3A_12 = arith.constant 1 : i32
    %scan3A_13 = scf.for %scan3A_25 = %scan3A_9 to %scan3A_11 step %scan3A_12 iter_args(%scan3A_26 = %scan3A) -> (i32)  : i32 {
      %add3A_27 = arith.addi %mul3A_2, %scan3A_25 : i32
      %dma_wait3A_28 = arith.constant 0 : i32
      %dma_wait3A_29 = arith.constant 0 : i32
      %dma_wait3A_30 = tpu.memref_slice %arg5[%dma_wait3A_28, %dma_wait3A_29] : memref<1x56xi32, #tpu.memory_space<vmem>> -> memref<1x56xi32, #tpu.memory_space<vmem>>
      %dma_wait3A_31 = tpu.memref_squeeze %dma_wait3A_30 : memref<1x56xi32, #tpu.memory_space<vmem>> -> memref<56xi32, #tpu.memory_space<vmem>>
      %dma_wait3A_32 = arith.constant 0 : i32
      %dma_wait3A_33 = arith.constant 0 : i32
      %dma_wait3A_34 = tpu.memref_slice %arg3[%dma_wait3A_32, %dma_wait3A_33] : memref<1000x1024xf32, #tpu.memory_space<hbm>> -> memref<1000x1024xf32, #tpu.memory_space<hbm>>
      tpu.wait_indirect_dma semaphore(%arg8 : memref<!tpu.dma_semaphore, #tpu.memory_space<semaphore_mem>>) src(%dma_wait3A_34 : memref<1000x1024xf32, #tpu.memory_space<hbm>>) dst(%arg6 : memref<56x1024xf32, #tpu.memory_space<vmem>>)
      %lt3A = arith.constant 15 : i32
      %lt3A_35 = arith.cmpi slt, %scan3A_25, %lt3A : i32
      %convert_element_type3A = arith.extui %lt3A_35 : i1 to i32
      %cond3A = arith.constant 0 : i32
      %cond3A_36 = arith.cmpi ne, %convert_element_type3A, %cond3A : i32
      scf.if %cond3A_36 {
        %add3A_62 = arith.constant 1 : i32
        %add3A_63 = arith.addi %add3A_27, %add3A_62 : i32
        %dma_start3A_64 = arith.constant 0 : i32
        %dma_start3A_65 = arith.constant 0 : i32
        %dma_start3A_66 = tpu.memref_slice %arg2[%add3A_63, %dma_start3A_64, %dma_start3A_65] : memref<512x1x56xi32, #tpu.memory_space<hbm>> -> memref<1x1x56xi32, #tpu.memory_space<hbm>>
        %dma_start3A_67 = tpu.memref_squeeze %dma_start3A_66 : memref<1x1x56xi32, #tpu.memory_space<hbm>> -> memref<1x56xi32, #tpu.memory_space<hbm>>
        %dma_start3A_68 = arith.constant 0 : i32
        %dma_start3A_69 = arith.constant 0 : i32
        %dma_start3A_70 = tpu.memref_slice %arg2[%add3A_63, %dma_start3A_68, %dma_start3A_69] : memref<512x1x56xi32, #tpu.memory_space<hbm>> -> memref<1x1x56xi32, #tpu.memory_space<hbm>>
        %dma_start3A_71 = tpu.memref_squeeze %dma_start3A_70 : memref<1x1x56xi32, #tpu.memory_space<hbm>> -> memref<1x56xi32, #tpu.memory_space<hbm>>
        tpu.enqueue_dma source(%dma_start3A_71 : memref<1x56xi32, #tpu.memory_space<hbm>>) target(%arg5 : memref<1x56xi32, #tpu.memory_space<vmem>>) target_semaphore(%arg10 : memref<!tpu.dma_semaphore, #tpu.memory_space<semaphore_mem>>)
      } else {
      }
      %gt3A = arith.constant 0 : i32
      %gt3A_37 = arith.cmpi sgt, %scan3A_25, %gt3A : i32
      %convert_element_type3A_38 = arith.extui %gt3A_37 : i1 to i32
      %cond3A_39 = arith.constant 0 : i32
      %cond3A_40 = arith.cmpi ne, %convert_element_type3A_38, %cond3A_39 : i32
      scf.if %cond3A_40 {
        %sub3A_62 = arith.constant 1 : i32
        %sub3A_63 = arith.subi %add3A_27, %sub3A_62 : i32
        %dma_wait3A_64 = arith.constant 0 : i32
        %dma_wait3A_65 = arith.constant 0 : i32
        %dma_wait3A_66 = tpu.memref_slice %arg4[%sub3A_63, %dma_wait3A_64, %dma_wait3A_65] : memref<512x50x1000xf32, #tpu.memory_space<hbm>> -> memref<1x50x1000xf32, #tpu.memory_space<hbm>>
        %dma_wait3A_67 = tpu.memref_squeeze %dma_wait3A_66 : memref<1x50x1000xf32, #tpu.memory_space<hbm>> -> memref<50x1000xf32, #tpu.memory_space<hbm>>
        %dma_wait3A_68 = arith.constant 0 : i32
        %dma_wait3A_69 = arith.constant 0 : i32
        %dma_wait3A_70 = tpu.memref_slice %arg4[%sub3A_63, %dma_wait3A_68, %dma_wait3A_69] : memref<512x50x1000xf32, #tpu.memory_space<hbm>> -> memref<1x50x1000xf32, #tpu.memory_space<hbm>>
        %dma_wait3A_71 = tpu.memref_squeeze %dma_wait3A_70 : memref<1x50x1000xf32, #tpu.memory_space<hbm>> -> memref<50x1000xf32, #tpu.memory_space<hbm>>
        tpu.wait_dma2 semaphore(%arg9 : memref<!tpu.dma_semaphore, #tpu.memory_space<semaphore_mem>>) src(%arg7 : memref<50x1000xf32, #tpu.memory_space<vmem>>) dst(%dma_wait3A_71 : memref<50x1000xf32, #tpu.memory_space<hbm>>)
      } else {
      }
      %scan3A_41 = arith.constant 0 : i32
      %scan3A_42 = arith.constant 0 : i32
      %scan3A_43 = arith.constant 50 : i32
      %scan3A_44 = arith.addi %scan3A_42, %scan3A_43 : i32
      %scan3A_45 = arith.constant 1 : i32
      %scan3A_46 = scf.for %scan3A_62 = %scan3A_42 to %scan3A_44 step %scan3A_45 iter_args(%scan3A_63 = %scan3A_41) -> (i32)  : i32 {
        %get3A = arith.index_cast %scan3A_62 : i32 to index
        %get3A_64 = arith.constant 0 : index
        %get3A_65 = tpu.vector_load %arg6[%get3A, %get3A_64] {strides = array<i32>} : memref<56x1024xf32, #tpu.memory_space<vmem>>, vector<1x16xf32>,
        %get3A_66 = vector.shape_cast %get3A_65 : vector<1x16xf32> to vector<16xf32>
        %swap3A = arith.index_cast %scan3A_62 : i32 to index
        %swap3A_67 = arith.constant 0 : index
        %swap3A_68 = tpu.vector_load %arg7[%swap3A, %swap3A_67] {strides = array<i32>} : memref<50x1000xf32, #tpu.memory_space<vmem>>, vector<1x16xf32>,
        %swap3A_69 = vector.shape_cast %swap3A_68 : vector<1x16xf32> to vector<16xf32>
        %swap3A_70 = vector.shape_cast %get3A_66 : vector<16xf32> to vector<1x16xf32>
        tpu.vector_store %arg7[%swap3A, %swap3A_67], %swap3A_70 {strides = array<i32>} : memref<50x1000xf32, #tpu.memory_space<vmem>>, vector<1x16xf32>,
        %get3A_71 = arith.index_cast %scan3A_62 : i32 to index
        %get3A_72 = arith.constant 16 : index
        %get3A_73 = tpu.vector_load %arg6[%get3A_71, %get3A_72] {strides = array<i32>} : memref<56x1024xf32, #tpu.memory_space<vmem>>, vector<1x16xf32>,
        %get3A_74 = vector.shape_cast %get3A_73 : vector<1x16xf32> to vector<16xf32>
        %swap3A_75 = arith.index_cast %scan3A_62 : i32 to index
        %swap3A_76 = arith.constant 16 : index
        %swap3A_77 = tpu.vector_load %arg7[%swap3A_75, %swap3A_76] {strides = array<i32>} : memref<50x1000xf32, #tpu.memory_space<vmem>>, vector<1x16xf32>,
        %swap3A_78 = vector.shape_cast %swap3A_77 : vector<1x16xf32> to vector<16xf32>
        %swap3A_79 = vector.shape_cast %get3A_74 : vector<16xf32> to vector<1x16xf32>
        tpu.vector_store %arg7[%swap3A_75, %swap3A_76], %swap3A_79 {strides = array<i32>} : memref<50x1000xf32, #tpu.memory_space<vmem>>, vector<1x16xf32>,
        %get3A_80 = arith.index_cast %scan3A_62 : i32 to index
        %get3A_81 = arith.constant 32 : index
        %get3A_82 = tpu.vector_load %arg6[%get3A_80, %get3A_81] {strides = array<i32>} : memref<56x1024xf32, #tpu.memory_space<vmem>>, vector<1x16xf32>,
        %get3A_83 = vector.shape_cast %get3A_82 : vector<1x16xf32> to vector<16xf32>
        %swap3A_84 = arith.index_cast %scan3A_62 : i32 to index
        %swap3A_85 = arith.constant 32 : index
        %swap3A_86 = tpu.vector_load %arg7[%swap3A_84, %swap3A_85] {strides = array<i32>} : memref<50x1000xf32, #tpu.memory_space<vmem>>, vector<1x16xf32>,
        %swap3A_87 = vector.shape_cast %swap3A_86 : vector<1x16xf32> to vector<16xf32>
        %swap3A_88 = vector.shape_cast %get3A_83 : vector<16xf32> to vector<1x16xf32>
        tpu.vector_store %arg7[%swap3A_84, %swap3A_85], %swap3A_88 {strides = array<i32>} : memref<50x1000xf32, #tpu.memory_space<vmem>>, vector<1x16xf32>,
        %get3A_89 = arith.index_cast %scan3A_62 : i32 to index
        %get3A_90 = arith.constant 48 : index
        %get3A_91 = tpu.vector_load %arg6[%get3A_89, %get3A_90] {strides = array<i32>} : memref<56x1024xf32, #tpu.memory_space<vmem>>, vector<1x16xf32>,
        %get3A_92 = vector.shape_cast %get3A_91 : vector<1x16xf32> to vector<16xf32>
        %swap3A_93 = arith.index_cast %scan3A_62 : i32 to index
        %swap3A_94 = arith.constant 48 : index
        %swap3A_95 = tpu.vector_load %arg7[%swap3A_93, %swap3A_94] {strides = array<i32>} : memref<50x1000xf32, #tpu.memory_space<vmem>>, vector<1x16xf32>,
        %swap3A_96 = vector.shape_cast %swap3A_95 : vector<1x16xf32> to vector<16xf32>
        %swap3A_97 = vector.shape_cast %get3A_92 : vector<16xf32> to vector<1x16xf32>
        tpu.vector_store %arg7[%swap3A_93, %swap3A_94], %swap3A_97 {strides = array<i32>} : memref<50x1000xf32, #tpu.memory_space<vmem>>, vector<1x16xf32>,
        %get3A_98 = arith.index_cast %scan3A_62 : i32 to index
        %get3A_99 = arith.constant 64 : index
        %get3A_100 = tpu.vector_load %arg6[%get3A_98, %get3A_99] {strides = array<i32>} : memref<56x1024xf32, #tpu.memory_space<vmem>>, vector<1x16xf32>,
        %get3A_101 = vector.shape_cast %get3A_100 : vector<1x16xf32> to vector<16xf32>
        %swap3A_102 = arith.index_cast %scan3A_62 : i32 to index
        %swap3A_103 = arith.constant 64 : index
        %swap3A_104 = tpu.vector_load %arg7[%swap3A_102, %swap3A_103] {strides = array<i32>} : memref<50x1000xf32, #tpu.memory_space<vmem>>, vector<1x16xf32>,
        %swap3A_105 = vector.shape_cast %swap3A_104 : vector<1x16xf32> to vector<16xf32>
        %swap3A_106 = vector.shape_cast %get3A_101 : vector<16xf32> to vector<1x16xf32>
        tpu.vector_store %arg7[%swap3A_102, %swap3A_103], %swap3A_106 {strides = array<i32>} : memref<50x1000xf32, #tpu.memory_space<vmem>>, vector<1x16xf32>,
        %get3A_107 = arith.index_cast %scan3A_62 : i32 to index
        %get3A_108 = arith.constant 80 : index
        %get3A_109 = tpu.vector_load %arg6[%get3A_107, %get3A_108] {strides = array<i32>} : memref<56x1024xf32, #tpu.memory_space<vmem>>, vector<1x16xf32>,
        %get3A_110 = vector.shape_cast %get3A_109 : vector<1x16xf32> to vector<16xf32>
        %swap3A_111 = arith.index_cast %scan3A_62 : i32 to index
        %swap3A_112 = arith.constant 80 : index
        %swap3A_113 = tpu.vector_load %arg7[%swap3A_111, %swap3A_112] {strides = array<i32>} : memref<50x1000xf32, #tpu.memory_space<vmem>>, vector<1x16xf32>,
        %swap3A_114 = vector.shape_cast %swap3A_113 : vector<1x16xf32> to vector<16xf32>
        %swap3A_115 = vector.shape_cast %get3A_110 : vector<16xf32> to vector<1x16xf32>
        tpu.vector_store %arg7[%swap3A_111, %swap3A_112], %swap3A_115 {strides = array<i32>} : memref<50x1000xf32, #tpu.memory_space<vmem>>, vector<1x16xf32>,
        %get3A_116 = arith.index_cast %scan3A_62 : i32 to index
        %get3A_117 = arith.constant 96 : index
        %get3A_118 = tpu.vector_load %arg6[%get3A_116, %get3A_117] {strides = array<i32>} : memref<56x1024xf32, #tpu.memory_space<vmem>>, vector<1x16xf32>,
        %get3A_119 = vector.shape_cast %get3A_118 : vector<1x16xf32> to vector<16xf32>
        %swap3A_120 = arith.index_cast %scan3A_62 : i32 to index
        %swap3A_121 = arith.constant 96 : index
        %swap3A_122 = tpu.vector_load %arg7[%swap3A_120, %swap3A_121] {strides = array<i32>} : memref<50x1000xf32, #tpu.memory_space<vmem>>, vector<1x16xf32>,
        %swap3A_123 = vector.shape_cast %swap3A_122 : vector<1x16xf32> to vector<16xf32>
        %swap3A_124 = vector.shape_cast %get3A_119 : vector<16xf32> to vector<1x16xf32>
        tpu.vector_store %arg7[%swap3A_120, %swap3A_121], %swap3A_124 {strides = array<i32>} : memref<50x1000xf32, #tpu.memory_space<vmem>>, vector<1x16xf32>,
        %get3A_125 = arith.index_cast %scan3A_62 : i32 to index
        %get3A_126 = arith.constant 112 : index
        %get3A_127 = tpu.vector_load %arg6[%get3A_125, %get3A_126] {strides = array<i32>} : memref<56x1024xf32, #tpu.memory_space<vmem>>, vector<1x16xf32>,
        %get3A_128 = vector.shape_cast %get3A_127 : vector<1x16xf32> to vector<16xf32>
        %swap3A_129 = arith.index_cast %scan3A_62 : i32 to index
        %swap3A_130 = arith.constant 112 : index
        %swap3A_131 = tpu.vector_load %arg7[%swap3A_129, %swap3A_130] {strides = array<i32>} : memref<50x1000xf32, #tpu.memory_space<vmem>>, vector<1x16xf32>,
        %swap3A_132 = vector.shape_cast %swap3A_131 : vector<1x16xf32> to vector<16xf32>
        %swap3A_133 = vector.shape_cast %get3A_128 : vector<16xf32> to vector<1x16xf32>
        tpu.vector_store %arg7[%swap3A_129, %swap3A_130], %swap3A_133 {strides = array<i32>} : memref<50x1000xf32, #tpu.memory_space<vmem>>, vector<1x16xf32>,
        %get3A_134 = arith.index_cast %scan3A_62 : i32 to index
        %get3A_135 = arith.constant 128 : index
        %get3A_136 = tpu.vector_load %arg6[%get3A_134, %get3A_135] {strides = array<i32>} : memref<56x1024xf32, #tpu.memory_space<vmem>>, vector<1x16xf32>,
        %get3A_137 = vector.shape_cast %get3A_136 : vector<1x16xf32> to vector<16xf32>
        %swap3A_138 = arith.index_cast %scan3A_62 : i32 to index
        %swap3A_139 = arith.constant 128 : index
        %swap3A_140 = tpu.vector_load %arg7[%swap3A_138, %swap3A_139] {strides = array<i32>} : memref<50x1000xf32, #tpu.memory_space<vmem>>, vector<1x16xf32>,
        %swap3A_141 = vector.shape_cast %swap3A_140 : vector<1x16xf32> to vector<16xf32>
        %swap3A_142 = vector.shape_cast %get3A_137 : vector<16xf32> to vector<1x16xf32>
        tpu.vector_store %arg7[%swap3A_138, %swap3A_139], %swap3A_142 {strides = array<i32>} : memref<50x1000xf32, #tpu.memory_space<vmem>>, vector<1x16xf32>,
        %get3A_143 = arith.index_cast %scan3A_62 : i32 to index
        %get3A_144 = arith.constant 144 : index
        %get3A_145 = tpu.vector_load %arg6[%get3A_143, %get3A_144] {strides = array<i32>} : memref<56x1024xf32, #tpu.memory_space<vmem>>, vector<1x16xf32>,
        %get3A_146 = vector.shape_cast %get3A_145 : vector<1x16xf32> to vector<16xf32>
        %swap3A_147 = arith.index_cast %scan3A_62 : i32 to index
        %swap3A_148 = arith.constant 144 : index
        %swap3A_149 = tpu.vector_load %arg7[%swap3A_147, %swap3A_148] {strides = array<i32>} : memref<50x1000xf32, #tpu.memory_space<vmem>>, vector<1x16xf32>,
        %swap3A_150 = vector.shape_cast %swap3A_149 : vector<1x16xf32> to vector<16xf32>
        %swap3A_151 = vector.shape_cast %get3A_146 : vector<16xf32> to vector<1x16xf32>
        tpu.vector_store %arg7[%swap3A_147, %swap3A_148], %swap3A_151 {strides = array<i32>} : memref<50x1000xf32, #tpu.memory_space<vmem>>, vector<1x16xf32>,
        %get3A_152 = arith.index_cast %scan3A_62 : i32 to index
        %get3A_153 = arith.constant 160 : index
        %get3A_154 = tpu.vector_load %arg6[%get3A_152, %get3A_153] {strides = array<i32>} : memref<56x1024xf32, #tpu.memory_space<vmem>>, vector<1x16xf32>,
        %get3A_155 = vector.shape_cast %get3A_154 : vector<1x16xf32> to vector<16xf32>
        %swap3A_156 = arith.index_cast %scan3A_62 : i32 to index
        %swap3A_157 = arith.constant 160 : index
        %swap3A_158 = tpu.vector_load %arg7[%swap3A_156, %swap3A_157] {strides = array<i32>} : memref<50x1000xf32, #tpu.memory_space<vmem>>, vector<1x16xf32>,
        %swap3A_159 = vector.shape_cast %swap3A_158 : vector<1x16xf32> to vector<16xf32>
        %swap3A_160 = vector.shape_cast %get3A_155 : vector<16xf32> to vector<1x16xf32>
        tpu.vector_store %arg7[%swap3A_156, %swap3A_157], %swap3A_160 {strides = array<i32>} : memref<50x1000xf32, #tpu.memory_space<vmem>>, vector<1x16xf32>,
        %get3A_161 = arith.index_cast %scan3A_62 : i32 to index
        %get3A_162 = arith.constant 176 : index
        %get3A_163 = tpu.vector_load %arg6[%get3A_161, %get3A_162] {strides = array<i32>} : memref<56x1024xf32, #tpu.memory_space<vmem>>, vector<1x16xf32>,
        %get3A_164 = vector.shape_cast %get3A_163 : vector<1x16xf32> to vector<16xf32>
        %swap3A_165 = arith.index_cast %scan3A_62 : i32 to index
        %swap3A_166 = arith.constant 176 : index
        %swap3A_167 = tpu.vector_load %arg7[%swap3A_165, %swap3A_166] {strides = array<i32>} : memref<50x1000xf32, #tpu.memory_space<vmem>>, vector<1x16xf32>,
        %swap3A_168 = vector.shape_cast %swap3A_167 : vector<1x16xf32> to vector<16xf32>
        %swap3A_169 = vector.shape_cast %get3A_164 : vector<16xf32> to vector<1x16xf32>
        tpu.vector_store %arg7[%swap3A_165, %swap3A_166], %swap3A_169 {strides = array<i32>} : memref<50x1000xf32, #tpu.memory_space<vmem>>, vector<1x16xf32>,
        %get3A_170 = arith.index_cast %scan3A_62 : i32 to index
        %get3A_171 = arith.constant 192 : index
        %get3A_172 = tpu.vector_load %arg6[%get3A_170, %get3A_171] {strides = array<i32>} : memref<56x1024xf32, #tpu.memory_space<vmem>>, vector<1x16xf32>,
        %get3A_173 = vector.shape_cast %get3A_172 : vector<1x16xf32> to vector<16xf32>
        %swap3A_174 = arith.index_cast %scan3A_62 : i32 to index
        %swap3A_175 = arith.constant 192 : index
        %swap3A_176 = tpu.vector_load %arg7[%swap3A_174, %swap3A_175] {strides = array<i32>} : memref<50x1000xf32, #tpu.memory_space<vmem>>, vector<1x16xf32>,
        %swap3A_177 = vector.shape_cast %swap3A_176 : vector<1x16xf32> to vector<16xf32>
        %swap3A_178 = vector.shape_cast %get3A_173 : vector<16xf32> to vector<1x16xf32>
        tpu.vector_store %arg7[%swap3A_174, %swap3A_175], %swap3A_178 {strides = array<i32>} : memref<50x1000xf32, #tpu.memory_space<vmem>>, vector<1x16xf32>,
        %get3A_179 = arith.index_cast %scan3A_62 : i32 to index
        %get3A_180 = arith.constant 208 : index
        %get3A_181 = tpu.vector_load %arg6[%get3A_179, %get3A_180] {strides = array<i32>} : memref<56x1024xf32, #tpu.memory_space<vmem>>, vector<1x16xf32>,
        %get3A_182 = vector.shape_cast %get3A_181 : vector<1x16xf32> to vector<16xf32>
        %swap3A_183 = arith.index_cast %scan3A_62 : i32 to index
        %swap3A_184 = arith.constant 208 : index
        %swap3A_185 = tpu.vector_load %arg7[%swap3A_183, %swap3A_184] {strides = array<i32>} : memref<50x1000xf32, #tpu.memory_space<vmem>>, vector<1x16xf32>,
        %swap3A_186 = vector.shape_cast %swap3A_185 : vector<1x16xf32> to vector<16xf32>
        %swap3A_187 = vector.shape_cast %get3A_182 : vector<16xf32> to vector<1x16xf32>
        tpu.vector_store %arg7[%swap3A_183, %swap3A_184], %swap3A_187 {strides = array<i32>} : memref<50x1000xf32, #tpu.memory_space<vmem>>, vector<1x16xf32>,
        %get3A_188 = arith.index_cast %scan3A_62 : i32 to index
        %get3A_189 = arith.constant 224 : index
        %get3A_190 = tpu.vector_load %arg6[%get3A_188, %get3A_189] {strides = array<i32>} : memref<56x1024xf32, #tpu.memory_space<vmem>>, vector<1x16xf32>,
        %get3A_191 = vector.shape_cast %get3A_190 : vector<1x16xf32> to vector<16xf32>
        %swap3A_192 = arith.index_cast %scan3A_62 : i32 to index
        %swap3A_193 = arith.constant 224 : index
        %swap3A_194 = tpu.vector_load %arg7[%swap3A_192, %swap3A_193] {strides = array<i32>} : memref<50x1000xf32, #tpu.memory_space<vmem>>, vector<1x16xf32>,
        %swap3A_195 = vector.shape_cast %swap3A_194 : vector<1x16xf32> to vector<16xf32>
        %swap3A_196 = vector.shape_cast %get3A_191 : vector<16xf32> to vector<1x16xf32>
        tpu.vector_store %arg7[%swap3A_192, %swap3A_193], %swap3A_196 {strides = array<i32>} : memref<50x1000xf32, #tpu.memory_space<vmem>>, vector<1x16xf32>,
        %get3A_197 = arith.index_cast %scan3A_62 : i32 to index
        %get3A_198 = arith.constant 240 : index
        %get3A_199 = tpu.vector_load %arg6[%get3A_197, %get3A_198] {strides = array<i32>} : memref<56x1024xf32, #tpu.memory_space<vmem>>, vector<1x16xf32>,
        %get3A_200 = vector.shape_cast %get3A_199 : vector<1x16xf32> to vector<16xf32>
        %swap3A_201 = arith.index_cast %scan3A_62 : i32 to index
        %swap3A_202 = arith.constant 240 : index
        %swap3A_203 = tpu.vector_load %arg7[%swap3A_201, %swap3A_202] {strides = array<i32>} : memref<50x1000xf32, #tpu.memory_space<vmem>>, vector<1x16xf32>,
        %swap3A_204 = vector.shape_cast %swap3A_203 : vector<1x16xf32> to vector<16xf32>
        %swap3A_205 = vector.shape_cast %get3A_200 : vector<16xf32> to vector<1x16xf32>
        tpu.vector_store %arg7[%swap3A_201, %swap3A_202], %swap3A_205 {strides = array<i32>} : memref<50x1000xf32, #tpu.memory_space<vmem>>, vector<1x16xf32>,
        %get3A_206 = arith.index_cast %scan3A_62 : i32 to index
        %get3A_207 = arith.constant 256 : index
        %get3A_208 = tpu.vector_load %arg6[%get3A_206, %get3A_207] {strides = array<i32>} : memref<56x1024xf32, #tpu.memory_space<vmem>>, vector<1x16xf32>,
        %get3A_209 = vector.shape_cast %get3A_208 : vector<1x16xf32> to vector<16xf32>
        %swap3A_210 = arith.index_cast %scan3A_62 : i32 to index
        %swap3A_211 = arith.constant 256 : index
        %swap3A_212 = tpu.vector_load %arg7[%swap3A_210, %swap3A_211] {strides = array<i32>} : memref<50x1000xf32, #tpu.memory_space<vmem>>, vector<1x16xf32>,
        %swap3A_213 = vector.shape_cast %swap3A_212 : vector<1x16xf32> to vector<16xf32>
        %swap3A_214 = vector.shape_cast %get3A_209 : vector<16xf32> to vector<1x16xf32>
        tpu.vector_store %arg7[%swap3A_210, %swap3A_211], %swap3A_214 {strides = array<i32>} : memref<50x1000xf32, #tpu.memory_space<vmem>>, vector<1x16xf32>,
        %get3A_215 = arith.index_cast %scan3A_62 : i32 to index
        %get3A_216 = arith.constant 272 : index
        %get3A_217 = tpu.vector_load %arg6[%get3A_215, %get3A_216] {strides = array<i32>} : memref<56x1024xf32, #tpu.memory_space<vmem>>, vector<1x16xf32>,
        %get3A_218 = vector.shape_cast %get3A_217 : vector<1x16xf32> to vector<16xf32>
        %swap3A_219 = arith.index_cast %scan3A_62 : i32 to index
        %swap3A_220 = arith.constant 272 : index
        %swap3A_221 = tpu.vector_load %arg7[%swap3A_219, %swap3A_220] {strides = array<i32>} : memref<50x1000xf32, #tpu.memory_space<vmem>>, vector<1x16xf32>,
        %swap3A_222 = vector.shape_cast %swap3A_221 : vector<1x16xf32> to vector<16xf32>
        %swap3A_223 = vector.shape_cast %get3A_218 : vector<16xf32> to vector<1x16xf32>
        tpu.vector_store %arg7[%swap3A_219, %swap3A_220], %swap3A_223 {strides = array<i32>} : memref<50x1000xf32, #tpu.memory_space<vmem>>, vector<1x16xf32>,
        %get3A_224 = arith.index_cast %scan3A_62 : i32 to index
        %get3A_225 = arith.constant 288 : index
        %get3A_226 = tpu.vector_load %arg6[%get3A_224, %get3A_225] {strides = array<i32>} : memref<56x1024xf32, #tpu.memory_space<vmem>>, vector<1x16xf32>,
        %get3A_227 = vector.shape_cast %get3A_226 : vector<1x16xf32> to vector<16xf32>
        %swap3A_228 = arith.index_cast %scan3A_62 : i32 to index
        %swap3A_229 = arith.constant 288 : index
        %swap3A_230 = tpu.vector_load %arg7[%swap3A_228, %swap3A_229] {strides = array<i32>} : memref<50x1000xf32, #tpu.memory_space<vmem>>, vector<1x16xf32>,
        %swap3A_231 = vector.shape_cast %swap3A_230 : vector<1x16xf32> to vector<16xf32>
        %swap3A_232 = vector.shape_cast %get3A_227 : vector<16xf32> to vector<1x16xf32>
        tpu.vector_store %arg7[%swap3A_228, %swap3A_229], %swap3A_232 {strides = array<i32>} : memref<50x1000xf32, #tpu.memory_space<vmem>>, vector<1x16xf32>,
        %get3A_233 = arith.index_cast %scan3A_62 : i32 to index
        %get3A_234 = arith.constant 304 : index
        %get3A_235 = tpu.vector_load %arg6[%get3A_233, %get3A_234] {strides = array<i32>} : memref<56x1024xf32, #tpu.memory_space<vmem>>, vector<1x16xf32>,
        %get3A_236 = vector.shape_cast %get3A_235 : vector<1x16xf32> to vector<16xf32>
        %swap3A_237 = arith.index_cast %scan3A_62 : i32 to index
        %swap3A_238 = arith.constant 304 : index
        %swap3A_239 = tpu.vector_load %arg7[%swap3A_237, %swap3A_238] {strides = array<i32>} : memref<50x1000xf32, #tpu.memory_space<vmem>>, vector<1x16xf32>,
        %swap3A_240 = vector.shape_cast %swap3A_239 : vector<1x16xf32> to vector<16xf32>
        %swap3A_241 = vector.shape_cast %get3A_236 : vector<16xf32> to vector<1x16xf32>
        tpu.vector_store %arg7[%swap3A_237, %swap3A_238], %swap3A_241 {strides = array<i32>} : memref<50x1000xf32, #tpu.memory_space<vmem>>, vector<1x16xf32>,
        %get3A_242 = arith.index_cast %scan3A_62 : i32 to index
        %get3A_243 = arith.constant 320 : index
        %get3A_244 = tpu.vector_load %arg6[%get3A_242, %get3A_243] {strides = array<i32>} : memref<56x1024xf32, #tpu.memory_space<vmem>>, vector<1x16xf32>,
        %get3A_245 = vector.shape_cast %get3A_244 : vector<1x16xf32> to vector<16xf32>
        %swap3A_246 = arith.index_cast %scan3A_62 : i32 to index
        %swap3A_247 = arith.constant 320 : index
        %swap3A_248 = tpu.vector_load %arg7[%swap3A_246, %swap3A_247] {strides = array<i32>} : memref<50x1000xf32, #tpu.memory_space<vmem>>, vector<1x16xf32>,
        %swap3A_249 = vector.shape_cast %swap3A_248 : vector<1x16xf32> to vector<16xf32>
        %swap3A_250 = vector.shape_cast %get3A_245 : vector<16xf32> to vector<1x16xf32>
        tpu.vector_store %arg7[%swap3A_246, %swap3A_247], %swap3A_250 {strides = array<i32>} : memref<50x1000xf32, #tpu.memory_space<vmem>>, vector<1x16xf32>,
        %get3A_251 = arith.index_cast %scan3A_62 : i32 to index
        %get3A_252 = arith.constant 336 : index
        %get3A_253 = tpu.vector_load %arg6[%get3A_251, %get3A_252] {strides = array<i32>} : memref<56x1024xf32, #tpu.memory_space<vmem>>, vector<1x16xf32>,
        %get3A_254 = vector.shape_cast %get3A_253 : vector<1x16xf32> to vector<16xf32>
        %swap3A_255 = arith.index_cast %scan3A_62 : i32 to index
        %swap3A_256 = arith.constant 336 : index
        %swap3A_257 = tpu.vector_load %arg7[%swap3A_255, %swap3A_256] {strides = array<i32>} : memref<50x1000xf32, #tpu.memory_space<vmem>>, vector<1x16xf32>,
        %swap3A_258 = vector.shape_cast %swap3A_257 : vector<1x16xf32> to vector<16xf32>
        %swap3A_259 = vector.shape_cast %get3A_254 : vector<16xf32> to vector<1x16xf32>
        tpu.vector_store %arg7[%swap3A_255, %swap3A_256], %swap3A_259 {strides = array<i32>} : memref<50x1000xf32, #tpu.memory_space<vmem>>, vector<1x16xf32>,
        %get3A_260 = arith.index_cast %scan3A_62 : i32 to index
        %get3A_261 = arith.constant 352 : index
        %get3A_262 = tpu.vector_load %arg6[%get3A_260, %get3A_261] {strides = array<i32>} : memref<56x1024xf32, #tpu.memory_space<vmem>>, vector<1x16xf32>,
        %get3A_263 = vector.shape_cast %get3A_262 : vector<1x16xf32> to vector<16xf32>
        %swap3A_264 = arith.index_cast %scan3A_62 : i32 to index
        %swap3A_265 = arith.constant 352 : index
        %swap3A_266 = tpu.vector_load %arg7[%swap3A_264, %swap3A_265] {strides = array<i32>} : memref<50x1000xf32, #tpu.memory_space<vmem>>, vector<1x16xf32>,
        %swap3A_267 = vector.shape_cast %swap3A_266 : vector<1x16xf32> to vector<16xf32>
        %swap3A_268 = vector.shape_cast %get3A_263 : vector<16xf32> to vector<1x16xf32>
        tpu.vector_store %arg7[%swap3A_264, %swap3A_265], %swap3A_268 {strides = array<i32>} : memref<50x1000xf32, #tpu.memory_space<vmem>>, vector<1x16xf32>,
        %get3A_269 = arith.index_cast %scan3A_62 : i32 to index
        %get3A_270 = arith.constant 368 : index
        %get3A_271 = tpu.vector_load %arg6[%get3A_269, %get3A_270] {strides = array<i32>} : memref<56x1024xf32, #tpu.memory_space<vmem>>, vector<1x16xf32>,
        %get3A_272 = vector.shape_cast %get3A_271 : vector<1x16xf32> to vector<16xf32>
        %swap3A_273 = arith.index_cast %scan3A_62 : i32 to index
        %swap3A_274 = arith.constant 368 : index
        %swap3A_275 = tpu.vector_load %arg7[%swap3A_273, %swap3A_274] {strides = array<i32>} : memref<50x1000xf32, #tpu.memory_space<vmem>>, vector<1x16xf32>,
        %swap3A_276 = vector.shape_cast %swap3A_275 : vector<1x16xf32> to vector<16xf32>
        %swap3A_277 = vector.shape_cast %get3A_272 : vector<16xf32> to vector<1x16xf32>
        tpu.vector_store %arg7[%swap3A_273, %swap3A_274], %swap3A_277 {strides = array<i32>} : memref<50x1000xf32, #tpu.memory_space<vmem>>, vector<1x16xf32>,
        %get3A_278 = arith.index_cast %scan3A_62 : i32 to index
        %get3A_279 = arith.constant 384 : index
        %get3A_280 = tpu.vector_load %arg6[%get3A_278, %get3A_279] {strides = array<i32>} : memref<56x1024xf32, #tpu.memory_space<vmem>>, vector<1x16xf32>,
        %get3A_281 = vector.shape_cast %get3A_280 : vector<1x16xf32> to vector<16xf32>
        %swap3A_282 = arith.index_cast %scan3A_62 : i32 to index
        %swap3A_283 = arith.constant 384 : index
        %swap3A_284 = tpu.vector_load %arg7[%swap3A_282, %swap3A_283] {strides = array<i32>} : memref<50x1000xf32, #tpu.memory_space<vmem>>, vector<1x16xf32>,
        %swap3A_285 = vector.shape_cast %swap3A_284 : vector<1x16xf32> to vector<16xf32>
        %swap3A_286 = vector.shape_cast %get3A_281 : vector<16xf32> to vector<1x16xf32>
        tpu.vector_store %arg7[%swap3A_282, %swap3A_283], %swap3A_286 {strides = array<i32>} : memref<50x1000xf32, #tpu.memory_space<vmem>>, vector<1x16xf32>,
        %get3A_287 = arith.index_cast %scan3A_62 : i32 to index
        %get3A_288 = arith.constant 400 : index
        %get3A_289 = tpu.vector_load %arg6[%get3A_287, %get3A_288] {strides = array<i32>} : memref<56x1024xf32, #tpu.memory_space<vmem>>, vector<1x16xf32>,
        %get3A_290 = vector.shape_cast %get3A_289 : vector<1x16xf32> to vector<16xf32>
        %swap3A_291 = arith.index_cast %scan3A_62 : i32 to index
        %swap3A_292 = arith.constant 400 : index
        %swap3A_293 = tpu.vector_load %arg7[%swap3A_291, %swap3A_292] {strides = array<i32>} : memref<50x1000xf32, #tpu.memory_space<vmem>>, vector<1x16xf32>,
        %swap3A_294 = vector.shape_cast %swap3A_293 : vector<1x16xf32> to vector<16xf32>
        %swap3A_295 = vector.shape_cast %get3A_290 : vector<16xf32> to vector<1x16xf32>
        tpu.vector_store %arg7[%swap3A_291, %swap3A_292], %swap3A_295 {strides = array<i32>} : memref<50x1000xf32, #tpu.memory_space<vmem>>, vector<1x16xf32>,
        %get3A_296 = arith.index_cast %scan3A_62 : i32 to index
        %get3A_297 = arith.constant 416 : index
        %get3A_298 = tpu.vector_load %arg6[%get3A_296, %get3A_297] {strides = array<i32>} : memref<56x1024xf32, #tpu.memory_space<vmem>>, vector<1x16xf32>,
        %get3A_299 = vector.shape_cast %get3A_298 : vector<1x16xf32> to vector<16xf32>
        %swap3A_300 = arith.index_cast %scan3A_62 : i32 to index
        %swap3A_301 = arith.constant 416 : index
        %swap3A_302 = tpu.vector_load %arg7[%swap3A_300, %swap3A_301] {strides = array<i32>} : memref<50x1000xf32, #tpu.memory_space<vmem>>, vector<1x16xf32>,
        %swap3A_303 = vector.shape_cast %swap3A_302 : vector<1x16xf32> to vector<16xf32>
        %swap3A_304 = vector.shape_cast %get3A_299 : vector<16xf32> to vector<1x16xf32>
        tpu.vector_store %arg7[%swap3A_300, %swap3A_301], %swap3A_304 {strides = array<i32>} : memref<50x1000xf32, #tpu.memory_space<vmem>>, vector<1x16xf32>,
        %get3A_305 = arith.index_cast %scan3A_62 : i32 to index
        %get3A_306 = arith.constant 432 : index
        %get3A_307 = tpu.vector_load %arg6[%get3A_305, %get3A_306] {strides = array<i32>} : memref<56x1024xf32, #tpu.memory_space<vmem>>, vector<1x16xf32>,
        %get3A_308 = vector.shape_cast %get3A_307 : vector<1x16xf32> to vector<16xf32>
        %swap3A_309 = arith.index_cast %scan3A_62 : i32 to index
        %swap3A_310 = arith.constant 432 : index
        %swap3A_311 = tpu.vector_load %arg7[%swap3A_309, %swap3A_310] {strides = array<i32>} : memref<50x1000xf32, #tpu.memory_space<vmem>>, vector<1x16xf32>,
        %swap3A_312 = vector.shape_cast %swap3A_311 : vector<1x16xf32> to vector<16xf32>
        %swap3A_313 = vector.shape_cast %get3A_308 : vector<16xf32> to vector<1x16xf32>
        tpu.vector_store %arg7[%swap3A_309, %swap3A_310], %swap3A_313 {strides = array<i32>} : memref<50x1000xf32, #tpu.memory_space<vmem>>, vector<1x16xf32>,
        %get3A_314 = arith.index_cast %scan3A_62 : i32 to index
        %get3A_315 = arith.constant 448 : index
        %get3A_316 = tpu.vector_load %arg6[%get3A_314, %get3A_315] {strides = array<i32>} : memref<56x1024xf32, #tpu.memory_space<vmem>>, vector<1x16xf32>,
        %get3A_317 = vector.shape_cast %get3A_316 : vector<1x16xf32> to vector<16xf32>
        %swap3A_318 = arith.index_cast %scan3A_62 : i32 to index
        %swap3A_319 = arith.constant 448 : index
        %swap3A_320 = tpu.vector_load %arg7[%swap3A_318, %swap3A_319] {strides = array<i32>} : memref<50x1000xf32, #tpu.memory_space<vmem>>, vector<1x16xf32>,
        %swap3A_321 = vector.shape_cast %swap3A_320 : vector<1x16xf32> to vector<16xf32>
        %swap3A_322 = vector.shape_cast %get3A_317 : vector<16xf32> to vector<1x16xf32>
        tpu.vector_store %arg7[%swap3A_318, %swap3A_319], %swap3A_322 {strides = array<i32>} : memref<50x1000xf32, #tpu.memory_space<vmem>>, vector<1x16xf32>,
        %get3A_323 = arith.index_cast %scan3A_62 : i32 to index
        %get3A_324 = arith.constant 464 : index
        %get3A_325 = tpu.vector_load %arg6[%get3A_323, %get3A_324] {strides = array<i32>} : memref<56x1024xf32, #tpu.memory_space<vmem>>, vector<1x16xf32>,
        %get3A_326 = vector.shape_cast %get3A_325 : vector<1x16xf32> to vector<16xf32>
        %swap3A_327 = arith.index_cast %scan3A_62 : i32 to index
        %swap3A_328 = arith.constant 464 : index
        %swap3A_329 = tpu.vector_load %arg7[%swap3A_327, %swap3A_328] {strides = array<i32>} : memref<50x1000xf32, #tpu.memory_space<vmem>>, vector<1x16xf32>,
        %swap3A_330 = vector.shape_cast %swap3A_329 : vector<1x16xf32> to vector<16xf32>
        %swap3A_331 = vector.shape_cast %get3A_326 : vector<16xf32> to vector<1x16xf32>
        tpu.vector_store %arg7[%swap3A_327, %swap3A_328], %swap3A_331 {strides = array<i32>} : memref<50x1000xf32, #tpu.memory_space<vmem>>, vector<1x16xf32>,
        %get3A_332 = arith.index_cast %scan3A_62 : i32 to index
        %get3A_333 = arith.constant 480 : index
        %get3A_334 = tpu.vector_load %arg6[%get3A_332, %get3A_333] {strides = array<i32>} : memref<56x1024xf32, #tpu.memory_space<vmem>>, vector<1x16xf32>,
        %get3A_335 = vector.shape_cast %get3A_334 : vector<1x16xf32> to vector<16xf32>
        %swap3A_336 = arith.index_cast %scan3A_62 : i32 to index
        %swap3A_337 = arith.constant 480 : index
        %swap3A_338 = tpu.vector_load %arg7[%swap3A_336, %swap3A_337] {strides = array<i32>} : memref<50x1000xf32, #tpu.memory_space<vmem>>, vector<1x16xf32>,
        %swap3A_339 = vector.shape_cast %swap3A_338 : vector<1x16xf32> to vector<16xf32>
        %swap3A_340 = vector.shape_cast %get3A_335 : vector<16xf32> to vector<1x16xf32>
        tpu.vector_store %arg7[%swap3A_336, %swap3A_337], %swap3A_340 {strides = array<i32>} : memref<50x1000xf32, #tpu.memory_space<vmem>>, vector<1x16xf32>,
        %get3A_341 = arith.index_cast %scan3A_62 : i32 to index
        %get3A_342 = arith.constant 496 : index
        %get3A_343 = tpu.vector_load %arg6[%get3A_341, %get3A_342] {strides = array<i32>} : memref<56x1024xf32, #tpu.memory_space<vmem>>, vector<1x16xf32>,
        %get3A_344 = vector.shape_cast %get3A_343 : vector<1x16xf32> to vector<16xf32>
        %swap3A_345 = arith.index_cast %scan3A_62 : i32 to index
        %swap3A_346 = arith.constant 496 : index
        %swap3A_347 = tpu.vector_load %arg7[%swap3A_345, %swap3A_346] {strides = array<i32>} : memref<50x1000xf32, #tpu.memory_space<vmem>>, vector<1x16xf32>,
        %swap3A_348 = vector.shape_cast %swap3A_347 : vector<1x16xf32> to vector<16xf32>
        %swap3A_349 = vector.shape_cast %get3A_344 : vector<16xf32> to vector<1x16xf32>
        tpu.vector_store %arg7[%swap3A_345, %swap3A_346], %swap3A_349 {strides = array<i32>} : memref<50x1000xf32, #tpu.memory_space<vmem>>, vector<1x16xf32>,
        %get3A_350 = arith.index_cast %scan3A_62 : i32 to index
        %get3A_351 = arith.constant 512 : index
        %get3A_352 = tpu.vector_load %arg6[%get3A_350, %get3A_351] {strides = array<i32>} : memref<56x1024xf32, #tpu.memory_space<vmem>>, vector<1x16xf32>,
        %get3A_353 = vector.shape_cast %get3A_352 : vector<1x16xf32> to vector<16xf32>
        %swap3A_354 = arith.index_cast %scan3A_62 : i32 to index
        %swap3A_355 = arith.constant 512 : index
        %swap3A_356 = tpu.vector_load %arg7[%swap3A_354, %swap3A_355] {strides = array<i32>} : memref<50x1000xf32, #tpu.memory_space<vmem>>, vector<1x16xf32>,
        %swap3A_357 = vector.shape_cast %swap3A_356 : vector<1x16xf32> to vector<16xf32>
        %swap3A_358 = vector.shape_cast %get3A_353 : vector<16xf32> to vector<1x16xf32>
        tpu.vector_store %arg7[%swap3A_354, %swap3A_355], %swap3A_358 {strides = array<i32>} : memref<50x1000xf32, #tpu.memory_space<vmem>>, vector<1x16xf32>,
        %get3A_359 = arith.index_cast %scan3A_62 : i32 to index
        %get3A_360 = arith.constant 528 : index
        %get3A_361 = tpu.vector_load %arg6[%get3A_359, %get3A_360] {strides = array<i32>} : memref<56x1024xf32, #tpu.memory_space<vmem>>, vector<1x16xf32>,
        %get3A_362 = vector.shape_cast %get3A_361 : vector<1x16xf32> to vector<16xf32>
        %swap3A_363 = arith.index_cast %scan3A_62 : i32 to index
        %swap3A_364 = arith.constant 528 : index
        %swap3A_365 = tpu.vector_load %arg7[%swap3A_363, %swap3A_364] {strides = array<i32>} : memref<50x1000xf32, #tpu.memory_space<vmem>>, vector<1x16xf32>,
        %swap3A_366 = vector.shape_cast %swap3A_365 : vector<1x16xf32> to vector<16xf32>
        %swap3A_367 = vector.shape_cast %get3A_362 : vector<16xf32> to vector<1x16xf32>
        tpu.vector_store %arg7[%swap3A_363, %swap3A_364], %swap3A_367 {strides = array<i32>} : memref<50x1000xf32, #tpu.memory_space<vmem>>, vector<1x16xf32>,
        %get3A_368 = arith.index_cast %scan3A_62 : i32 to index
        %get3A_369 = arith.constant 544 : index
        %get3A_370 = tpu.vector_load %arg6[%get3A_368, %get3A_369] {strides = array<i32>} : memref<56x1024xf32, #tpu.memory_space<vmem>>, vector<1x16xf32>,
        %get3A_371 = vector.shape_cast %get3A_370 : vector<1x16xf32> to vector<16xf32>
        %swap3A_372 = arith.index_cast %scan3A_62 : i32 to index
        %swap3A_373 = arith.constant 544 : index
        %swap3A_374 = tpu.vector_load %arg7[%swap3A_372, %swap3A_373] {strides = array<i32>} : memref<50x1000xf32, #tpu.memory_space<vmem>>, vector<1x16xf32>,
        %swap3A_375 = vector.shape_cast %swap3A_374 : vector<1x16xf32> to vector<16xf32>
        %swap3A_376 = vector.shape_cast %get3A_371 : vector<16xf32> to vector<1x16xf32>
        tpu.vector_store %arg7[%swap3A_372, %swap3A_373], %swap3A_376 {strides = array<i32>} : memref<50x1000xf32, #tpu.memory_space<vmem>>, vector<1x16xf32>,
        %get3A_377 = arith.index_cast %scan3A_62 : i32 to index
        %get3A_378 = arith.constant 560 : index
        %get3A_379 = tpu.vector_load %arg6[%get3A_377, %get3A_378] {strides = array<i32>} : memref<56x1024xf32, #tpu.memory_space<vmem>>, vector<1x16xf32>,
        %get3A_380 = vector.shape_cast %get3A_379 : vector<1x16xf32> to vector<16xf32>
        %swap3A_381 = arith.index_cast %scan3A_62 : i32 to index
        %swap3A_382 = arith.constant 560 : index
        %swap3A_383 = tpu.vector_load %arg7[%swap3A_381, %swap3A_382] {strides = array<i32>} : memref<50x1000xf32, #tpu.memory_space<vmem>>, vector<1x16xf32>,
        %swap3A_384 = vector.shape_cast %swap3A_383 : vector<1x16xf32> to vector<16xf32>
        %swap3A_385 = vector.shape_cast %get3A_380 : vector<16xf32> to vector<1x16xf32>
        tpu.vector_store %arg7[%swap3A_381, %swap3A_382], %swap3A_385 {strides = array<i32>} : memref<50x1000xf32, #tpu.memory_space<vmem>>, vector<1x16xf32>,
        %get3A_386 = arith.index_cast %scan3A_62 : i32 to index
        %get3A_387 = arith.constant 576 : index
        %get3A_388 = tpu.vector_load %arg6[%get3A_386, %get3A_387] {strides = array<i32>} : memref<56x1024xf32, #tpu.memory_space<vmem>>, vector<1x16xf32>,
        %get3A_389 = vector.shape_cast %get3A_388 : vector<1x16xf32> to vector<16xf32>
        %swap3A_390 = arith.index_cast %scan3A_62 : i32 to index
        %swap3A_391 = arith.constant 576 : index
        %swap3A_392 = tpu.vector_load %arg7[%swap3A_390, %swap3A_391] {strides = array<i32>} : memref<50x1000xf32, #tpu.memory_space<vmem>>, vector<1x16xf32>,
        %swap3A_393 = vector.shape_cast %swap3A_392 : vector<1x16xf32> to vector<16xf32>
        %swap3A_394 = vector.shape_cast %get3A_389 : vector<16xf32> to vector<1x16xf32>
        tpu.vector_store %arg7[%swap3A_390, %swap3A_391], %swap3A_394 {strides = array<i32>} : memref<50x1000xf32, #tpu.memory_space<vmem>>, vector<1x16xf32>,
        %get3A_395 = arith.index_cast %scan3A_62 : i32 to index
        %get3A_396 = arith.constant 592 : index
        %get3A_397 = tpu.vector_load %arg6[%get3A_395, %get3A_396] {strides = array<i32>} : memref<56x1024xf32, #tpu.memory_space<vmem>>, vector<1x16xf32>,
        %get3A_398 = vector.shape_cast %get3A_397 : vector<1x16xf32> to vector<16xf32>
        %swap3A_399 = arith.index_cast %scan3A_62 : i32 to index
        %swap3A_400 = arith.constant 592 : index
        %swap3A_401 = tpu.vector_load %arg7[%swap3A_399, %swap3A_400] {strides = array<i32>} : memref<50x1000xf32, #tpu.memory_space<vmem>>, vector<1x16xf32>,
        %swap3A_402 = vector.shape_cast %swap3A_401 : vector<1x16xf32> to vector<16xf32>
        %swap3A_403 = vector.shape_cast %get3A_398 : vector<16xf32> to vector<1x16xf32>
        tpu.vector_store %arg7[%swap3A_399, %swap3A_400], %swap3A_403 {strides = array<i32>} : memref<50x1000xf32, #tpu.memory_space<vmem>>, vector<1x16xf32>,
        %get3A_404 = arith.index_cast %scan3A_62 : i32 to index
        %get3A_405 = arith.constant 608 : index
        %get3A_406 = tpu.vector_load %arg6[%get3A_404, %get3A_405] {strides = array<i32>} : memref<56x1024xf32, #tpu.memory_space<vmem>>, vector<1x16xf32>,
        %get3A_407 = vector.shape_cast %get3A_406 : vector<1x16xf32> to vector<16xf32>
        %swap3A_408 = arith.index_cast %scan3A_62 : i32 to index
        %swap3A_409 = arith.constant 608 : index
        %swap3A_410 = tpu.vector_load %arg7[%swap3A_408, %swap3A_409] {strides = array<i32>} : memref<50x1000xf32, #tpu.memory_space<vmem>>, vector<1x16xf32>,
        %swap3A_411 = vector.shape_cast %swap3A_410 : vector<1x16xf32> to vector<16xf32>
        %swap3A_412 = vector.shape_cast %get3A_407 : vector<16xf32> to vector<1x16xf32>
        tpu.vector_store %arg7[%swap3A_408, %swap3A_409], %swap3A_412 {strides = array<i32>} : memref<50x1000xf32, #tpu.memory_space<vmem>>, vector<1x16xf32>,
        %get3A_413 = arith.index_cast %scan3A_62 : i32 to index
        %get3A_414 = arith.constant 624 : index
        %get3A_415 = tpu.vector_load %arg6[%get3A_413, %get3A_414] {strides = array<i32>} : memref<56x1024xf32, #tpu.memory_space<vmem>>, vector<1x16xf32>,
        %get3A_416 = vector.shape_cast %get3A_415 : vector<1x16xf32> to vector<16xf32>
        %swap3A_417 = arith.index_cast %scan3A_62 : i32 to index
        %swap3A_418 = arith.constant 624 : index
        %swap3A_419 = tpu.vector_load %arg7[%swap3A_417, %swap3A_418] {strides = array<i32>} : memref<50x1000xf32, #tpu.memory_space<vmem>>, vector<1x16xf32>,
        %swap3A_420 = vector.shape_cast %swap3A_419 : vector<1x16xf32> to vector<16xf32>
        %swap3A_421 = vector.shape_cast %get3A_416 : vector<16xf32> to vector<1x16xf32>
        tpu.vector_store %arg7[%swap3A_417, %swap3A_418], %swap3A_421 {strides = array<i32>} : memref<50x1000xf32, #tpu.memory_space<vmem>>, vector<1x16xf32>,
        %get3A_422 = arith.index_cast %scan3A_62 : i32 to index
        %get3A_423 = arith.constant 640 : index
        %get3A_424 = tpu.vector_load %arg6[%get3A_422, %get3A_423] {strides = array<i32>} : memref<56x1024xf32, #tpu.memory_space<vmem>>, vector<1x16xf32>,
        %get3A_425 = vector.shape_cast %get3A_424 : vector<1x16xf32> to vector<16xf32>
        %swap3A_426 = arith.index_cast %scan3A_62 : i32 to index
        %swap3A_427 = arith.constant 640 : index
        %swap3A_428 = tpu.vector_load %arg7[%swap3A_426, %swap3A_427] {strides = array<i32>} : memref<50x1000xf32, #tpu.memory_space<vmem>>, vector<1x16xf32>,
        %swap3A_429 = vector.shape_cast %swap3A_428 : vector<1x16xf32> to vector<16xf32>
        %swap3A_430 = vector.shape_cast %get3A_425 : vector<16xf32> to vector<1x16xf32>
        tpu.vector_store %arg7[%swap3A_426, %swap3A_427], %swap3A_430 {strides = array<i32>} : memref<50x1000xf32, #tpu.memory_space<vmem>>, vector<1x16xf32>,
        %get3A_431 = arith.index_cast %scan3A_62 : i32 to index
        %get3A_432 = arith.constant 656 : index
        %get3A_433 = tpu.vector_load %arg6[%get3A_431, %get3A_432] {strides = array<i32>} : memref<56x1024xf32, #tpu.memory_space<vmem>>, vector<1x16xf32>,
        %get3A_434 = vector.shape_cast %get3A_433 : vector<1x16xf32> to vector<16xf32>
        %swap3A_435 = arith.index_cast %scan3A_62 : i32 to index
        %swap3A_436 = arith.constant 656 : index
        %swap3A_437 = tpu.vector_load %arg7[%swap3A_435, %swap3A_436] {strides = array<i32>} : memref<50x1000xf32, #tpu.memory_space<vmem>>, vector<1x16xf32>,
        %swap3A_438 = vector.shape_cast %swap3A_437 : vector<1x16xf32> to vector<16xf32>
        %swap3A_439 = vector.shape_cast %get3A_434 : vector<16xf32> to vector<1x16xf32>
        tpu.vector_store %arg7[%swap3A_435, %swap3A_436], %swap3A_439 {strides = array<i32>} : memref<50x1000xf32, #tpu.memory_space<vmem>>, vector<1x16xf32>,
        %get3A_440 = arith.index_cast %scan3A_62 : i32 to index
        %get3A_441 = arith.constant 672 : index
        %get3A_442 = tpu.vector_load %arg6[%get3A_440, %get3A_441] {strides = array<i32>} : memref<56x1024xf32, #tpu.memory_space<vmem>>, vector<1x16xf32>,
        %get3A_443 = vector.shape_cast %get3A_442 : vector<1x16xf32> to vector<16xf32>
        %swap3A_444 = arith.index_cast %scan3A_62 : i32 to index
        %swap3A_445 = arith.constant 672 : index
        %swap3A_446 = tpu.vector_load %arg7[%swap3A_444, %swap3A_445] {strides = array<i32>} : memref<50x1000xf32, #tpu.memory_space<vmem>>, vector<1x16xf32>,
        %swap3A_447 = vector.shape_cast %swap3A_446 : vector<1x16xf32> to vector<16xf32>
        %swap3A_448 = vector.shape_cast %get3A_443 : vector<16xf32> to vector<1x16xf32>
        tpu.vector_store %arg7[%swap3A_444, %swap3A_445], %swap3A_448 {strides = array<i32>} : memref<50x1000xf32, #tpu.memory_space<vmem>>, vector<1x16xf32>,
        %get3A_449 = arith.index_cast %scan3A_62 : i32 to index
        %get3A_450 = arith.constant 688 : index
        %get3A_451 = tpu.vector_load %arg6[%get3A_449, %get3A_450] {strides = array<i32>} : memref<56x1024xf32, #tpu.memory_space<vmem>>, vector<1x16xf32>,
        %get3A_452 = vector.shape_cast %get3A_451 : vector<1x16xf32> to vector<16xf32>
        %swap3A_453 = arith.index_cast %scan3A_62 : i32 to index
        %swap3A_454 = arith.constant 688 : index
        %swap3A_455 = tpu.vector_load %arg7[%swap3A_453, %swap3A_454] {strides = array<i32>} : memref<50x1000xf32, #tpu.memory_space<vmem>>, vector<1x16xf32>,
        %swap3A_456 = vector.shape_cast %swap3A_455 : vector<1x16xf32> to vector<16xf32>
        %swap3A_457 = vector.shape_cast %get3A_452 : vector<16xf32> to vector<1x16xf32>
        tpu.vector_store %arg7[%swap3A_453, %swap3A_454], %swap3A_457 {strides = array<i32>} : memref<50x1000xf32, #tpu.memory_space<vmem>>, vector<1x16xf32>,
        %get3A_458 = arith.index_cast %scan3A_62 : i32 to index
        %get3A_459 = arith.constant 704 : index
        %get3A_460 = tpu.vector_load %arg6[%get3A_458, %get3A_459] {strides = array<i32>} : memref<56x1024xf32, #tpu.memory_space<vmem>>, vector<1x16xf32>,
        %get3A_461 = vector.shape_cast %get3A_460 : vector<1x16xf32> to vector<16xf32>
        %swap3A_462 = arith.index_cast %scan3A_62 : i32 to index
        %swap3A_463 = arith.constant 704 : index
        %swap3A_464 = tpu.vector_load %arg7[%swap3A_462, %swap3A_463] {strides = array<i32>} : memref<50x1000xf32, #tpu.memory_space<vmem>>, vector<1x16xf32>,
        %swap3A_465 = vector.shape_cast %swap3A_464 : vector<1x16xf32> to vector<16xf32>
        %swap3A_466 = vector.shape_cast %get3A_461 : vector<16xf32> to vector<1x16xf32>
        tpu.vector_store %arg7[%swap3A_462, %swap3A_463], %swap3A_466 {strides = array<i32>} : memref<50x1000xf32, #tpu.memory_space<vmem>>, vector<1x16xf32>,
        %get3A_467 = arith.index_cast %scan3A_62 : i32 to index
        %get3A_468 = arith.constant 720 : index
        %get3A_469 = tpu.vector_load %arg6[%get3A_467, %get3A_468] {strides = array<i32>} : memref<56x1024xf32, #tpu.memory_space<vmem>>, vector<1x16xf32>,
        %get3A_470 = vector.shape_cast %get3A_469 : vector<1x16xf32> to vector<16xf32>
        %swap3A_471 = arith.index_cast %scan3A_62 : i32 to index
        %swap3A_472 = arith.constant 720 : index
        %swap3A_473 = tpu.vector_load %arg7[%swap3A_471, %swap3A_472] {strides = array<i32>} : memref<50x1000xf32, #tpu.memory_space<vmem>>, vector<1x16xf32>,
        %swap3A_474 = vector.shape_cast %swap3A_473 : vector<1x16xf32> to vector<16xf32>
        %swap3A_475 = vector.shape_cast %get3A_470 : vector<16xf32> to vector<1x16xf32>
        tpu.vector_store %arg7[%swap3A_471, %swap3A_472], %swap3A_475 {strides = array<i32>} : memref<50x1000xf32, #tpu.memory_space<vmem>>, vector<1x16xf32>,
        %get3A_476 = arith.index_cast %scan3A_62 : i32 to index
        %get3A_477 = arith.constant 736 : index
        %get3A_478 = tpu.vector_load %arg6[%get3A_476, %get3A_477] {strides = array<i32>} : memref<56x1024xf32, #tpu.memory_space<vmem>>, vector<1x16xf32>,
        %get3A_479 = vector.shape_cast %get3A_478 : vector<1x16xf32> to vector<16xf32>
        %swap3A_480 = arith.index_cast %scan3A_62 : i32 to index
        %swap3A_481 = arith.constant 736 : index
        %swap3A_482 = tpu.vector_load %arg7[%swap3A_480, %swap3A_481] {strides = array<i32>} : memref<50x1000xf32, #tpu.memory_space<vmem>>, vector<1x16xf32>,
        %swap3A_483 = vector.shape_cast %swap3A_482 : vector<1x16xf32> to vector<16xf32>
        %swap3A_484 = vector.shape_cast %get3A_479 : vector<16xf32> to vector<1x16xf32>
        tpu.vector_store %arg7[%swap3A_480, %swap3A_481], %swap3A_484 {strides = array<i32>} : memref<50x1000xf32, #tpu.memory_space<vmem>>, vector<1x16xf32>,
        %get3A_485 = arith.index_cast %scan3A_62 : i32 to index
        %get3A_486 = arith.constant 752 : index
        %get3A_487 = tpu.vector_load %arg6[%get3A_485, %get3A_486] {strides = array<i32>} : memref<56x1024xf32, #tpu.memory_space<vmem>>, vector<1x16xf32>,
        %get3A_488 = vector.shape_cast %get3A_487 : vector<1x16xf32> to vector<16xf32>
        %swap3A_489 = arith.index_cast %scan3A_62 : i32 to index
        %swap3A_490 = arith.constant 752 : index
        %swap3A_491 = tpu.vector_load %arg7[%swap3A_489, %swap3A_490] {strides = array<i32>} : memref<50x1000xf32, #tpu.memory_space<vmem>>, vector<1x16xf32>,
        %swap3A_492 = vector.shape_cast %swap3A_491 : vector<1x16xf32> to vector<16xf32>
        %swap3A_493 = vector.shape_cast %get3A_488 : vector<16xf32> to vector<1x16xf32>
        tpu.vector_store %arg7[%swap3A_489, %swap3A_490], %swap3A_493 {strides = array<i32>} : memref<50x1000xf32, #tpu.memory_space<vmem>>, vector<1x16xf32>,
        %get3A_494 = arith.index_cast %scan3A_62 : i32 to index
        %get3A_495 = arith.constant 768 : index
        %get3A_496 = tpu.vector_load %arg6[%get3A_494, %get3A_495] {strides = array<i32>} : memref<56x1024xf32, #tpu.memory_space<vmem>>, vector<1x16xf32>,
        %get3A_497 = vector.shape_cast %get3A_496 : vector<1x16xf32> to vector<16xf32>
        %swap3A_498 = arith.index_cast %scan3A_62 : i32 to index
        %swap3A_499 = arith.constant 768 : index
        %swap3A_500 = tpu.vector_load %arg7[%swap3A_498, %swap3A_499] {strides = array<i32>} : memref<50x1000xf32, #tpu.memory_space<vmem>>, vector<1x16xf32>,
        %swap3A_501 = vector.shape_cast %swap3A_500 : vector<1x16xf32> to vector<16xf32>
        %swap3A_502 = vector.shape_cast %get3A_497 : vector<16xf32> to vector<1x16xf32>
        tpu.vector_store %arg7[%swap3A_498, %swap3A_499], %swap3A_502 {strides = array<i32>} : memref<50x1000xf32, #tpu.memory_space<vmem>>, vector<1x16xf32>,
        %get3A_503 = arith.index_cast %scan3A_62 : i32 to index
        %get3A_504 = arith.constant 784 : index
        %get3A_505 = tpu.vector_load %arg6[%get3A_503, %get3A_504] {strides = array<i32>} : memref<56x1024xf32, #tpu.memory_space<vmem>>, vector<1x16xf32>,
        %get3A_506 = vector.shape_cast %get3A_505 : vector<1x16xf32> to vector<16xf32>
        %swap3A_507 = arith.index_cast %scan3A_62 : i32 to index
        %swap3A_508 = arith.constant 784 : index
        %swap3A_509 = tpu.vector_load %arg7[%swap3A_507, %swap3A_508] {strides = array<i32>} : memref<50x1000xf32, #tpu.memory_space<vmem>>, vector<1x16xf32>,
        %swap3A_510 = vector.shape_cast %swap3A_509 : vector<1x16xf32> to vector<16xf32>
        %swap3A_511 = vector.shape_cast %get3A_506 : vector<16xf32> to vector<1x16xf32>
        tpu.vector_store %arg7[%swap3A_507, %swap3A_508], %swap3A_511 {strides = array<i32>} : memref<50x1000xf32, #tpu.memory_space<vmem>>, vector<1x16xf32>,
        %get3A_512 = arith.index_cast %scan3A_62 : i32 to index
        %get3A_513 = arith.constant 800 : index
        %get3A_514 = tpu.vector_load %arg6[%get3A_512, %get3A_513] {strides = array<i32>} : memref<56x1024xf32, #tpu.memory_space<vmem>>, vector<1x16xf32>,
        %get3A_515 = vector.shape_cast %get3A_514 : vector<1x16xf32> to vector<16xf32>
        %swap3A_516 = arith.index_cast %scan3A_62 : i32 to index
        %swap3A_517 = arith.constant 800 : index
        %swap3A_518 = tpu.vector_load %arg7[%swap3A_516, %swap3A_517] {strides = array<i32>} : memref<50x1000xf32, #tpu.memory_space<vmem>>, vector<1x16xf32>,
        %swap3A_519 = vector.shape_cast %swap3A_518 : vector<1x16xf32> to vector<16xf32>
        %swap3A_520 = vector.shape_cast %get3A_515 : vector<16xf32> to vector<1x16xf32>
        tpu.vector_store %arg7[%swap3A_516, %swap3A_517], %swap3A_520 {strides = array<i32>} : memref<50x1000xf32, #tpu.memory_space<vmem>>, vector<1x16xf32>,
        %get3A_521 = arith.index_cast %scan3A_62 : i32 to index
        %get3A_522 = arith.constant 816 : index
        %get3A_523 = tpu.vector_load %arg6[%get3A_521, %get3A_522] {strides = array<i32>} : memref<56x1024xf32, #tpu.memory_space<vmem>>, vector<1x16xf32>,
        %get3A_524 = vector.shape_cast %get3A_523 : vector<1x16xf32> to vector<16xf32>
        %swap3A_525 = arith.index_cast %scan3A_62 : i32 to index
        %swap3A_526 = arith.constant 816 : index
        %swap3A_527 = tpu.vector_load %arg7[%swap3A_525, %swap3A_526] {strides = array<i32>} : memref<50x1000xf32, #tpu.memory_space<vmem>>, vector<1x16xf32>,
        %swap3A_528 = vector.shape_cast %swap3A_527 : vector<1x16xf32> to vector<16xf32>
        %swap3A_529 = vector.shape_cast %get3A_524 : vector<16xf32> to vector<1x16xf32>
        tpu.vector_store %arg7[%swap3A_525, %swap3A_526], %swap3A_529 {strides = array<i32>} : memref<50x1000xf32, #tpu.memory_space<vmem>>, vector<1x16xf32>,
        %get3A_530 = arith.index_cast %scan3A_62 : i32 to index
        %get3A_531 = arith.constant 832 : index
        %get3A_532 = tpu.vector_load %arg6[%get3A_530, %get3A_531] {strides = array<i32>} : memref<56x1024xf32, #tpu.memory_space<vmem>>, vector<1x16xf32>,
        %get3A_533 = vector.shape_cast %get3A_532 : vector<1x16xf32> to vector<16xf32>
        %swap3A_534 = arith.index_cast %scan3A_62 : i32 to index
        %swap3A_535 = arith.constant 832 : index
        %swap3A_536 = tpu.vector_load %arg7[%swap3A_534, %swap3A_535] {strides = array<i32>} : memref<50x1000xf32, #tpu.memory_space<vmem>>, vector<1x16xf32>,
        %swap3A_537 = vector.shape_cast %swap3A_536 : vector<1x16xf32> to vector<16xf32>
        %swap3A_538 = vector.shape_cast %get3A_533 : vector<16xf32> to vector<1x16xf32>
        tpu.vector_store %arg7[%swap3A_534, %swap3A_535], %swap3A_538 {strides = array<i32>} : memref<50x1000xf32, #tpu.memory_space<vmem>>, vector<1x16xf32>,
        %get3A_539 = arith.index_cast %scan3A_62 : i32 to index
        %get3A_540 = arith.constant 848 : index
        %get3A_541 = tpu.vector_load %arg6[%get3A_539, %get3A_540] {strides = array<i32>} : memref<56x1024xf32, #tpu.memory_space<vmem>>, vector<1x16xf32>,
        %get3A_542 = vector.shape_cast %get3A_541 : vector<1x16xf32> to vector<16xf32>
        %swap3A_543 = arith.index_cast %scan3A_62 : i32 to index
        %swap3A_544 = arith.constant 848 : index
        %swap3A_545 = tpu.vector_load %arg7[%swap3A_543, %swap3A_544] {strides = array<i32>} : memref<50x1000xf32, #tpu.memory_space<vmem>>, vector<1x16xf32>,
        %swap3A_546 = vector.shape_cast %swap3A_545 : vector<1x16xf32> to vector<16xf32>
        %swap3A_547 = vector.shape_cast %get3A_542 : vector<16xf32> to vector<1x16xf32>
        tpu.vector_store %arg7[%swap3A_543, %swap3A_544], %swap3A_547 {strides = array<i32>} : memref<50x1000xf32, #tpu.memory_space<vmem>>, vector<1x16xf32>,
        %get3A_548 = arith.index_cast %scan3A_62 : i32 to index
        %get3A_549 = arith.constant 864 : index
        %get3A_550 = tpu.vector_load %arg6[%get3A_548, %get3A_549] {strides = array<i32>} : memref<56x1024xf32, #tpu.memory_space<vmem>>, vector<1x16xf32>,
        %get3A_551 = vector.shape_cast %get3A_550 : vector<1x16xf32> to vector<16xf32>
        %swap3A_552 = arith.index_cast %scan3A_62 : i32 to index
        %swap3A_553 = arith.constant 864 : index
        %swap3A_554 = tpu.vector_load %arg7[%swap3A_552, %swap3A_553] {strides = array<i32>} : memref<50x1000xf32, #tpu.memory_space<vmem>>, vector<1x16xf32>,
        %swap3A_555 = vector.shape_cast %swap3A_554 : vector<1x16xf32> to vector<16xf32>
        %swap3A_556 = vector.shape_cast %get3A_551 : vector<16xf32> to vector<1x16xf32>
        tpu.vector_store %arg7[%swap3A_552, %swap3A_553], %swap3A_556 {strides = array<i32>} : memref<50x1000xf32, #tpu.memory_space<vmem>>, vector<1x16xf32>,
        %get3A_557 = arith.index_cast %scan3A_62 : i32 to index
        %get3A_558 = arith.constant 880 : index
        %get3A_559 = tpu.vector_load %arg6[%get3A_557, %get3A_558] {strides = array<i32>} : memref<56x1024xf32, #tpu.memory_space<vmem>>, vector<1x16xf32>,
        %get3A_560 = vector.shape_cast %get3A_559 : vector<1x16xf32> to vector<16xf32>
        %swap3A_561 = arith.index_cast %scan3A_62 : i32 to index
        %swap3A_562 = arith.constant 880 : index
        %swap3A_563 = tpu.vector_load %arg7[%swap3A_561, %swap3A_562] {strides = array<i32>} : memref<50x1000xf32, #tpu.memory_space<vmem>>, vector<1x16xf32>,
        %swap3A_564 = vector.shape_cast %swap3A_563 : vector<1x16xf32> to vector<16xf32>
        %swap3A_565 = vector.shape_cast %get3A_560 : vector<16xf32> to vector<1x16xf32>
        tpu.vector_store %arg7[%swap3A_561, %swap3A_562], %swap3A_565 {strides = array<i32>} : memref<50x1000xf32, #tpu.memory_space<vmem>>, vector<1x16xf32>,
        %get3A_566 = arith.index_cast %scan3A_62 : i32 to index
        %get3A_567 = arith.constant 896 : index
        %get3A_568 = tpu.vector_load %arg6[%get3A_566, %get3A_567] {strides = array<i32>} : memref<56x1024xf32, #tpu.memory_space<vmem>>, vector<1x16xf32>,
        %get3A_569 = vector.shape_cast %get3A_568 : vector<1x16xf32> to vector<16xf32>
        %swap3A_570 = arith.index_cast %scan3A_62 : i32 to index
        %swap3A_571 = arith.constant 896 : index
        %swap3A_572 = tpu.vector_load %arg7[%swap3A_570, %swap3A_571] {strides = array<i32>} : memref<50x1000xf32, #tpu.memory_space<vmem>>, vector<1x16xf32>,
        %swap3A_573 = vector.shape_cast %swap3A_572 : vector<1x16xf32> to vector<16xf32>
        %swap3A_574 = vector.shape_cast %get3A_569 : vector<16xf32> to vector<1x16xf32>
        tpu.vector_store %arg7[%swap3A_570, %swap3A_571], %swap3A_574 {strides = array<i32>} : memref<50x1000xf32, #tpu.memory_space<vmem>>, vector<1x16xf32>,
        %get3A_575 = arith.index_cast %scan3A_62 : i32 to index
        %get3A_576 = arith.constant 912 : index
        %get3A_577 = tpu.vector_load %arg6[%get3A_575, %get3A_576] {strides = array<i32>} : memref<56x1024xf32, #tpu.memory_space<vmem>>, vector<1x16xf32>,
        %get3A_578 = vector.shape_cast %get3A_577 : vector<1x16xf32> to vector<16xf32>
        %swap3A_579 = arith.index_cast %scan3A_62 : i32 to index
        %swap3A_580 = arith.constant 912 : index
        %swap3A_581 = tpu.vector_load %arg7[%swap3A_579, %swap3A_580] {strides = array<i32>} : memref<50x1000xf32, #tpu.memory_space<vmem>>, vector<1x16xf32>,
        %swap3A_582 = vector.shape_cast %swap3A_581 : vector<1x16xf32> to vector<16xf32>
        %swap3A_583 = vector.shape_cast %get3A_578 : vector<16xf32> to vector<1x16xf32>
        tpu.vector_store %arg7[%swap3A_579, %swap3A_580], %swap3A_583 {strides = array<i32>} : memref<50x1000xf32, #tpu.memory_space<vmem>>, vector<1x16xf32>,
        %get3A_584 = arith.index_cast %scan3A_62 : i32 to index
        %get3A_585 = arith.constant 928 : index
        %get3A_586 = tpu.vector_load %arg6[%get3A_584, %get3A_585] {strides = array<i32>} : memref<56x1024xf32, #tpu.memory_space<vmem>>, vector<1x16xf32>,
        %get3A_587 = vector.shape_cast %get3A_586 : vector<1x16xf32> to vector<16xf32>
        %swap3A_588 = arith.index_cast %scan3A_62 : i32 to index
        %swap3A_589 = arith.constant 928 : index
        %swap3A_590 = tpu.vector_load %arg7[%swap3A_588, %swap3A_589] {strides = array<i32>} : memref<50x1000xf32, #tpu.memory_space<vmem>>, vector<1x16xf32>,
        %swap3A_591 = vector.shape_cast %swap3A_590 : vector<1x16xf32> to vector<16xf32>
        %swap3A_592 = vector.shape_cast %get3A_587 : vector<16xf32> to vector<1x16xf32>
        tpu.vector_store %arg7[%swap3A_588, %swap3A_589], %swap3A_592 {strides = array<i32>} : memref<50x1000xf32, #tpu.memory_space<vmem>>, vector<1x16xf32>,
        %get3A_593 = arith.index_cast %scan3A_62 : i32 to index
        %get3A_594 = arith.constant 944 : index
        %get3A_595 = tpu.vector_load %arg6[%get3A_593, %get3A_594] {strides = array<i32>} : memref<56x1024xf32, #tpu.memory_space<vmem>>, vector<1x16xf32>,
        %get3A_596 = vector.shape_cast %get3A_595 : vector<1x16xf32> to vector<16xf32>
        %swap3A_597 = arith.index_cast %scan3A_62 : i32 to index
        %swap3A_598 = arith.constant 944 : index
        %swap3A_599 = tpu.vector_load %arg7[%swap3A_597, %swap3A_598] {strides = array<i32>} : memref<50x1000xf32, #tpu.memory_space<vmem>>, vector<1x16xf32>,
        %swap3A_600 = vector.shape_cast %swap3A_599 : vector<1x16xf32> to vector<16xf32>
        %swap3A_601 = vector.shape_cast %get3A_596 : vector<16xf32> to vector<1x16xf32>
        tpu.vector_store %arg7[%swap3A_597, %swap3A_598], %swap3A_601 {strides = array<i32>} : memref<50x1000xf32, #tpu.memory_space<vmem>>, vector<1x16xf32>,
        %get3A_602 = arith.index_cast %scan3A_62 : i32 to index
        %get3A_603 = arith.constant 960 : index
        %get3A_604 = tpu.vector_load %arg6[%get3A_602, %get3A_603] {strides = array<i32>} : memref<56x1024xf32, #tpu.memory_space<vmem>>, vector<1x16xf32>,
        %get3A_605 = vector.shape_cast %get3A_604 : vector<1x16xf32> to vector<16xf32>
        %swap3A_606 = arith.index_cast %scan3A_62 : i32 to index
        %swap3A_607 = arith.constant 960 : index
        %swap3A_608 = tpu.vector_load %arg7[%swap3A_606, %swap3A_607] {strides = array<i32>} : memref<50x1000xf32, #tpu.memory_space<vmem>>, vector<1x16xf32>,
        %swap3A_609 = vector.shape_cast %swap3A_608 : vector<1x16xf32> to vector<16xf32>
        %swap3A_610 = vector.shape_cast %get3A_605 : vector<16xf32> to vector<1x16xf32>
        tpu.vector_store %arg7[%swap3A_606, %swap3A_607], %swap3A_610 {strides = array<i32>} : memref<50x1000xf32, #tpu.memory_space<vmem>>, vector<1x16xf32>,
        %get3A_611 = arith.index_cast %scan3A_62 : i32 to index
        %get3A_612 = arith.constant 976 : index
        %get3A_613 = tpu.vector_load %arg6[%get3A_611, %get3A_612] {strides = array<i32>} : memref<56x1024xf32, #tpu.memory_space<vmem>>, vector<1x16xf32>,
        %get3A_614 = vector.shape_cast %get3A_613 : vector<1x16xf32> to vector<16xf32>
        %swap3A_615 = arith.index_cast %scan3A_62 : i32 to index
        %swap3A_616 = arith.constant 976 : index
        %swap3A_617 = tpu.vector_load %arg7[%swap3A_615, %swap3A_616] {strides = array<i32>} : memref<50x1000xf32, #tpu.memory_space<vmem>>, vector<1x16xf32>,
        %swap3A_618 = vector.shape_cast %swap3A_617 : vector<1x16xf32> to vector<16xf32>
        %swap3A_619 = vector.shape_cast %get3A_614 : vector<16xf32> to vector<1x16xf32>
        tpu.vector_store %arg7[%swap3A_615, %swap3A_616], %swap3A_619 {strides = array<i32>} : memref<50x1000xf32, #tpu.memory_space<vmem>>, vector<1x16xf32>,
        %get3A_620 = arith.index_cast %scan3A_62 : i32 to index
        %get3A_621 = arith.constant 984 : index
        %get3A_622 = tpu.vector_load %arg6[%get3A_620, %get3A_621] {strides = array<i32>} : memref<56x1024xf32, #tpu.memory_space<vmem>>, vector<1x16xf32>,
        %get3A_623 = vector.shape_cast %get3A_622 : vector<1x16xf32> to vector<16xf32>
        %swap3A_624 = arith.index_cast %scan3A_62 : i32 to index
        %swap3A_625 = arith.constant 984 : index
        %swap3A_626 = tpu.vector_load %arg7[%swap3A_624, %swap3A_625] {strides = array<i32>} : memref<50x1000xf32, #tpu.memory_space<vmem>>, vector<1x16xf32>,
        %swap3A_627 = vector.shape_cast %swap3A_626 : vector<1x16xf32> to vector<16xf32>
        %swap3A_628 = vector.shape_cast %get3A_623 : vector<16xf32> to vector<1x16xf32>
        tpu.vector_store %arg7[%swap3A_624, %swap3A_625], %swap3A_628 {strides = array<i32>} : memref<50x1000xf32, #tpu.memory_space<vmem>>, vector<1x16xf32>,
        %scan3A_629 = arith.constant 0 : i32
        scf.yield %scan3A_629 : i32
      }
      %scan3A_47 = arith.constant 50 : i32
      %dma_start3A_48 = arith.constant 0 : i32
      %dma_start3A_49 = arith.constant 0 : i32
      %dma_start3A_50 = tpu.memref_slice %arg4[%add3A_27, %dma_start3A_48, %dma_start3A_49] : memref<512x50x1000xf32, #tpu.memory_space<hbm>> -> memref<1x50x1000xf32, #tpu.memory_space<hbm>>
      %dma_start3A_51 = tpu.memref_squeeze %dma_start3A_50 : memref<1x50x1000xf32, #tpu.memory_space<hbm>> -> memref<50x1000xf32, #tpu.memory_space<hbm>>
      %dma_start3A_52 = arith.constant 0 : i32
      %dma_start3A_53 = arith.constant 0 : i32
      %dma_start3A_54 = tpu.memref_slice %arg4[%add3A_27, %dma_start3A_52, %dma_start3A_53] : memref<512x50x1000xf32, #tpu.memory_space<hbm>> -> memref<1x50x1000xf32, #tpu.memory_space<hbm>>
      %dma_start3A_55 = tpu.memref_squeeze %dma_start3A_54 : memref<1x50x1000xf32, #tpu.memory_space<hbm>> -> memref<50x1000xf32, #tpu.memory_space<hbm>>
      tpu.enqueue_dma source(%arg7 : memref<50x1000xf32, #tpu.memory_space<vmem>>) target(%dma_start3A_55 : memref<50x1000xf32, #tpu.memory_space<hbm>>) target_semaphore(%arg9 : memref<!tpu.dma_semaphore, #tpu.memory_space<semaphore_mem>>)
      %lt3A_56 = arith.constant 15 : i32
      %lt3A_57 = arith.cmpi slt, %scan3A_25, %lt3A_56 : i32
      %convert_element_type3A_58 = arith.extui %lt3A_57 : i1 to i32
      %cond3A_59 = arith.constant 0 : i32
      %cond3A_60 = arith.cmpi ne, %convert_element_type3A_58, %cond3A_59 : i32
      scf.if %cond3A_60 {
        %add3A_62 = arith.constant 1 : i32
        %add3A_63 = arith.addi %add3A_27, %add3A_62 : i32
        %dma_wait3A_64 = arith.constant 0 : i32
        %dma_wait3A_65 = arith.constant 0 : i32
        %dma_wait3A_66 = tpu.memref_slice %arg2[%add3A_63, %dma_wait3A_64, %dma_wait3A_65] : memref<512x1x56xi32, #tpu.memory_space<hbm>> -> memref<1x1x56xi32, #tpu.memory_space<hbm>>
        %dma_wait3A_67 = tpu.memref_squeeze %dma_wait3A_66 : memref<1x1x56xi32, #tpu.memory_space<hbm>> -> memref<1x56xi32, #tpu.memory_space<hbm>>
        %dma_wait3A_68 = arith.constant 0 : i32
        %dma_wait3A_69 = arith.constant 0 : i32
        %dma_wait3A_70 = tpu.memref_slice %arg2[%add3A_63, %dma_wait3A_68, %dma_wait3A_69] : memref<512x1x56xi32, #tpu.memory_space<hbm>> -> memref<1x1x56xi32, #tpu.memory_space<hbm>>
        %dma_wait3A_71 = tpu.memref_squeeze %dma_wait3A_70 : memref<1x1x56xi32, #tpu.memory_space<hbm>> -> memref<1x56xi32, #tpu.memory_space<hbm>>
        tpu.wait_dma2 semaphore(%arg10 : memref<!tpu.dma_semaphore, #tpu.memory_space<semaphore_mem>>) src(%dma_wait3A_71 : memref<1x56xi32, #tpu.memory_space<hbm>>) dst(%arg5 : memref<1x56xi32, #tpu.memory_space<vmem>>)
        %dma_start3A_72 = arith.constant 0 : i32
        %dma_start3A_73 = arith.constant 0 : i32
        %dma_start3A_74 = tpu.memref_slice %arg5[%dma_start3A_72, %dma_start3A_73] : memref<1x56xi32, #tpu.memory_space<vmem>> -> memref<1x56xi32, #tpu.memory_space<vmem>>
        %dma_start3A_75 = tpu.memref_squeeze %dma_start3A_74 : memref<1x56xi32, #tpu.memory_space<vmem>> -> memref<56xi32, #tpu.memory_space<vmem>>
        %dma_start3A_76 = arith.constant 0 : i32
        %dma_start3A_77 = arith.constant 0 : i32
        %dma_start3A_78 = tpu.memref_slice %arg3[%dma_start3A_76, %dma_start3A_77] : memref<1000x1024xf32, #tpu.memory_space<hbm>> -> memref<1000x1024xf32, #tpu.memory_space<hbm>>
        tpu.enqueue_indirect_dma source(%dma_start3A_78 : memref<1000x1024xf32, #tpu.memory_space<hbm>>) target(%arg6 : memref<56x1024xf32, #tpu.memory_space<vmem>>) offsets(%dma_start3A_75 : memref<56xi32, #tpu.memory_space<vmem>>) semaphore(%arg8 : memref<!tpu.dma_semaphore, #tpu.memory_space<semaphore_mem>>)
      } else {
      }
      %scan3A_61 = arith.constant 0 : i32
      scf.yield %scan3A_61 : i32
    }
    %scan3A_14 = arith.constant 16 : i32
    %add3A_15 = arith.constant 16 : i32
    %add3A_16 = arith.addi %mul3A_2, %add3A_15 : i32
    %sub3A = arith.constant 1 : i32
    %sub3A_17 = arith.subi %add3A_16, %sub3A : i32
    %dma_wait3A = arith.constant 0 : i32
    %dma_wait3A_18 = arith.constant 0 : i32
    %dma_wait3A_19 = tpu.memref_slice %arg4[%sub3A_17, %dma_wait3A, %dma_wait3A_18] : memref<512x50x1000xf32, #tpu.memory_space<hbm>> -> memref<1x50x1000xf32, #tpu.memory_space<hbm>>
    %dma_wait3A_20 = tpu.memref_squeeze %dma_wait3A_19 : memref<1x50x1000xf32, #tpu.memory_space<hbm>> -> memref<50x1000xf32, #tpu.memory_space<hbm>>
    %dma_wait3A_21 = arith.constant 0 : i32
    %dma_wait3A_22 = arith.constant 0 : i32
    %dma_wait3A_23 = tpu.memref_slice %arg4[%sub3A_17, %dma_wait3A_21, %dma_wait3A_22] : memref<512x50x1000xf32, #tpu.memory_space<hbm>> -> memref<1x50x1000xf32, #tpu.memory_space<hbm>>
    %dma_wait3A_24 = tpu.memref_squeeze %dma_wait3A_23 : memref<1x50x1000xf32, #tpu.memory_space<hbm>> -> memref<50x1000xf32, #tpu.memory_space<hbm>>
    tpu.wait_dma2 semaphore(%arg9 : memref<!tpu.dma_semaphore, #tpu.memory_space<semaphore_mem>>) src(%arg7 : memref<50x1000xf32, #tpu.memory_space<vmem>>) dst(%dma_wait3A_24 : memref<50x1000xf32, #tpu.memory_space<hbm>>)
    return
  }
}

module attributes {stable_mosaic.version = 14 : i64} {
  func.func @body(%arg0: i32, %arg1: memref<25600xi32, #tpu.memory_space<smem>>, %arg2: memref<1000x1000xf32, #tpu.memory_space<vmem>>, %arg3: memref<64x50x1000xf32, #tpu.memory_space<vmem>>) attributes {dimension_semantics = [#tpu.dimension_semantics<arbitrary>], iteration_bounds = array<i64: 8>, scalar_prefetch = 1 : i64, scratch_operands = 0 : i64, tpu.core_type = #tpu.core_type<tc>, window_params = [{pipeline_mode = #tpu.pipeline_mode<synchronous>, transform_indices = @transform_0, window_bounds = array<i64: 1000, 1000>}, {transform_indices = @transform_1, window_bounds = array<i64: 64, 50, 1000>}]} {
    %scan3A = arith.constant 0 : i32
    %scan3A_0 = arith.constant 64 : i32
    %scan3A_1 = arith.addi %scan3A, %scan3A_0 : i32
    %scan3A_2 = arith.constant 1 : i32
    scf.for %scan3A_4 = %scan3A to %scan3A_1 step %scan3A_2  : i32 {
      %scan3A_5 = arith.constant 0 : i32
      %scan3A_6 = arith.constant 50 : i32
      %scan3A_7 = arith.addi %scan3A_5, %scan3A_6 : i32
      %scan3A_8 = arith.constant 1 : i32
      scf.for %scan3A_10 = %scan3A_5 to %scan3A_7 step %scan3A_8  : i32 {
        %mul3A = arith.constant 64 : i32
        %mul3A_11 = arith.muli %arg0, %mul3A : i32
        %add3A = arith.addi %mul3A_11, %scan3A_4 : i32
        %mul3A_12 = arith.constant 50 : i32
        %mul3A_13 = arith.muli %add3A, %mul3A_12 : i32
        %add3A_14 = arith.addi %mul3A_13, %scan3A_10 : i32
        %get3A = arith.index_cast %add3A_14 : i32 to index
        %get3A_15 = memref.load %arg1[%get3A] : memref<25600xi32, #tpu.memory_space<smem>>
        %get3A_16 = arith.index_cast %get3A_15 : i32 to index
        %get3A_17 = arith.constant 0 : index
        %get3A_18 = vector.load %arg2[%get3A_16, %get3A_17] : memref<1000x1000xf32, #tpu.memory_space<vmem>>, vector<1x1000xf32>
        %swap3A = arith.index_cast %scan3A_4 : i32 to index
        %swap3A_19 = arith.index_cast %scan3A_10 : i32 to index
        %swap3A_20 = arith.constant 0 : index
        %swap3A_21 = vector.load %arg3[%swap3A, %swap3A_19, %swap3A_20] : memref<64x50x1000xf32, #tpu.memory_space<vmem>>, vector<1x1x1000xf32>
        %swap3A_22 = vector.shape_cast %swap3A_21 : vector<1x1x1000xf32> to vector<1x1000xf32>
        %swap3A_23 = vector.shape_cast %get3A_18 : vector<1x1000xf32> to vector<1x1x1000xf32>
        tpu.vector_store %arg3[%swap3A, %swap3A_19, %swap3A_20], %swap3A_23 {strides = array<i32>} : memref<64x50x1000xf32, #tpu.memory_space<vmem>>, vector<1x1x1000xf32>,
      }
      %scan3A_9 = arith.constant 50 : i32
    }
    %scan3A_3 = arith.constant 64 : i32
    return
  }
  func.func @transform_0(%arg0: i32, %arg1: memref<25600xi32, #tpu.memory_space<smem>>) -> (i32, i32) {
    %c0_i32 = arith.constant 0 : i32
    %c0_i32_0 = arith.constant 0 : i32
    %c0_i32_1 = arith.constant 0 : i32
    return %c0_i32, %c0_i32_0 : i32, i32
  }
  func.func @transform_1(%arg0: i32, %arg1: memref<25600xi32, #tpu.memory_space<smem>>) -> (i32, i32, i32) {
    %c0_i32 = arith.constant 0 : i32
    %c0_i32_0 = arith.constant 0 : i32
    %c0_i32_1 = arith.constant 0 : i32
    return %arg0, %c0_i32, %c0_i32_0 : i32, i32, i32
  }
}

</mosaic_0001>

<sc_bundles>
// kernel: kernel.4.cloned.1.call-start
scs
__scs_entry_jumppad:
0x0: {  	(pc) =	sbr.rel $0x88, $3  }
0x1: {  	(tag) =	ssettag $0x0;
	lr =	simm.s32 $0x1  }
0x2: {  	[smem:$0x3F9F] =	sst lr;
	_ =	strace $0xD0000000  }
0x3: {  	_ = 	snop  }
0x4: {  	_ = 	snop  }
0x5: {  	_ = 	snop  }
0x6: {  	_ = 	snop  }
0x7: {  	_ = 	snop  }
__scs_overlays_trampoline_lowered:
0x8: {  	[smem:$0x3FAE] =	sst s0  }
0x9: {  	[smem:$0x3FAF] =	sst s1  }
0xa: {  	[smem:$0x3FB0] =	sst s2  }
0xb: {  	[smem:$0x3FB1] =	sst s3  }
0xc: {  	[smem:$0x3FB2] =	sst s4  }
0xd: {  	[smem:$0x3FB3] =	sst s5  }
0xe: {  	[smem:$0x3FB4] =	sst s6  }
0xf: {  	[smem:$0x3FB5] =	sst s7  }
0x10: {  	[smem:$0x3FB6] =	sst s8  }
0x11: {  	[smem:$0x3FB7] =	sst s9;
	s0 =	simm.s32 @!p0 $0x0  }
0x12: {  	s1 =	sld [smem:$0x3F9D];
	s0 =	simm.s32 @p0 $0x1  }
0x13: {  	[smem:$0x3FB8] =	sst s0;
	s0 =	simm.s32 @!p1 $0x0  }
0x14: {  	s2 =	sld [smem:$0x3F9C];
	s0 =	simm.s32 @p1 $0x1  }
0x15: {  	[smem:$0x3FB9] =	sst s0;
	s0 =	simm.s32 @!p2 $0x0  }
0x16: {  	s3 =	sld [smem:$0x3FDB];
	s0 =	simm.s32 @p2 $0x1  }
0x17: {  	s4 =	simm.s32 $0x1BF5;
	[smem:$0x3FBB] =	sst s0  }
0x18: {  	s0 =	sld [smem:$0x3F9E];
	_ =	swait.ge [sflag:s4], $0x0  }
0x19: {  	s7 =	sld [smem:$0x3F9F]  }
0x1a: {  	s8 =	sadd.s32 $0xFFFFE003, lr  }
0x1b: {  	s9 =	sadd.s32 $0xFFFFFEF7, lr;
	s5 =	simm.s32 $0xFFFFFFFF;
	p2 =	slt.u32 s8, $0xFFFFF086  }
0x1c: {  	p1 =	slt.u32 s9, $0xF7A;
	s5 =	simm.s32 @!p2 $0x0  }
0x1d: {  	s5 =	simm.s32 @p1 $0x1;
	p0 =	seq.s32 s7, s2  }
0x1e: {  	s7 =	smul.u32 @!p0 $0xF7A, s2;
	p2 =	seq.s32 @!p0 s5, $0x0  }
0x1f: {  	s9 =	smul.u32 $0xF7A, s1;
	s8 =	simm.s32 @!p0 $0x1BF5;
	p2 =	por !p2, p0  }
0x20: {  	[sflag:s8] =	ssyncset.s32 @!p0 $0xFFFFF086;
	s6 =	sadd.s32 @!p0 s3, s7;
	s7 =	simm.s32 @!p0 $0x108  }
0x21: {  	s3 =	sadd.s32 s3, s9;
	s6 =	sadd.s32 @!p0 $0x88, s6;
	s7 =	simm.s32 @p2 $0x1082  }
0x22: {  	[simem:s7], [sflag:s8] =	dma.local @!p0 [hbm:s6], $0xF7A  }
0x23: {  	s9 =	sor.u32 $0xD0000000, s2;
	s6 =	simm.s32 $0x108;
	_ =	swait.ge @!p0 [sflag:s8], $0x0  }
0x24: {  	s3 =	sadd.s32 $0x88, s3;
	s6 =	simm.s32 @!p1 $0x1082;
	[sflag:s4] =	ssyncset.s32 $0xFFFFF086  }
0x25: {  	[simem:s6], [sflag:s4] =	dma.local [hbm:s3], $0xF7A  }
0x26: {  	[smem:$0x3F9F] =	sst s1;
	(tag) =	ssettag s2;
	_ =	strace s9  }
0x27: {  	s1 =	sld [smem:$0x3FAF]  }
0x28: {  	s2 =	sld [smem:$0x3FB0]  }
0x29: {  	s4 =	sld [smem:$0x3FB2]  }
0x2a: {  	p0 =	seq.s32 s5, $0x0;
	s5 =	sld [smem:$0x3FB3]  }
0x2b: {  	s6 =	sld [smem:$0x3FB4]  }
0x2c: {  	s7 =	sld [smem:$0x3FB5]  }
0x2d: {  	s3 =	simm.s32 $0x108;
	s8 =	sld [smem:$0x3FB6]  }
0x2e: {  	s3 =	simm.s32 @!p0 $0x1082;
	s9 =	sld [smem:$0x3FB7]  }
0x2f: {  	lr =	sadd.s32 s0, s3;
	s0 =	sld [smem:$0x3FAE]  }
0x30: {  	s3 =	sld [smem:$0x3FB1]  }
0x31: {  	[smem:$0x3FBA] =	sst s10  }
0x32: {  	s10 =	sld [smem:$0x3FB8];
	_ =	sdelay $0x3  }
0x33: {  	p0 =	seq.s32 s10, $0x1;
	s10 =	sld [smem:$0x3FBA];
	_ =	sdelay $0x3  }
0x34: {  	[smem:$0x3FBA] =	sst s10  }
0x35: {  	s10 =	sld [smem:$0x3FB9];
	_ =	sdelay $0x3  }
0x36: {  	p1 =	seq.s32 s10, $0x1;
	s10 =	sld [smem:$0x3FBA];
	_ =	sdelay $0x3  }
0x37: {  	[smem:$0x3FBA] =	sst s10  }
0x38: {  	s10 =	sld [smem:$0x3FBB]  }
0x39: {  	_ = 	snop;
	(pc) =	sbr.ind lr, $3  }
0x3a: {  	_ = 	snop  }
0x3b: {  	_ = 	snop  }
0x3c: {  	p2 =	seq.s32 s10, $0x1;
	s10 =	sld [smem:$0x3FBA]  }
0x3d: {  	_ =	shalt  }
0x3e: {  	_ =	shalt  }
0x3f: {  	_ =	shalt  }
0x40: {  	_ =	shalt  }
0x41: {  	_ =	shalt  }
0x42: {  	_ =	shalt  }
0x43: {  	_ =	shalt  }
0x44: {  	_ =	shalt  }
0x45: {  	_ =	shalt  }
0x46: {  	_ =	shalt  }
0x47: {  	_ =	shalt  }
0x48: {  	_ =	shalt  }
0x49: {  	_ =	shalt  }
0x4a: {  	_ =	shalt  }
0x4b: {  	_ =	shalt  }
0x4c: {  	_ =	shalt  }
0x4d: {  	_ =	shalt  }
0x4e: {  	_ =	shalt  }
0x4f: {  	_ =	shalt  }
0x50: {  	_ =	shalt  }
0x51: {  	_ =	shalt  }
0x52: {  	_ =	shalt  }
0x53: {  	_ =	shalt  }
0x54: {  	_ =	shalt  }
0x55: {  	_ =	shalt  }
0x56: {  	_ =	shalt  }
0x57: {  	_ =	shalt  }
0x58: {  	_ =	shalt  }
0x59: {  	_ =	shalt  }
0x5a: {  	_ =	shalt  }
0x5b: {  	_ =	shalt  }
0x5c: {  	_ =	shalt  }
0x5d: {  	_ =	shalt  }
0x5e: {  	_ =	shalt  }
0x5f: {  	_ =	shalt  }
0x60: {  	_ =	shalt  }
0x61: {  	_ =	shalt  }
0x62: {  	_ =	shalt  }
0x63: {  	_ =	shalt  }
0x64: {  	_ =	shalt  }
0x65: {  	_ =	shalt  }
0x66: {  	_ =	shalt  }
0x67: {  	_ =	shalt  }
0x68: {  	_ =	shalt  }
0x69: {  	_ =	shalt  }
0x6a: {  	_ =	shalt  }
0x6b: {  	_ =	shalt  }
0x6c: {  	_ =	shalt  }
0x6d: {  	_ =	shalt  }
0x6e: {  	_ =	shalt  }
0x6f: {  	_ =	shalt  }
0x70: {  	_ =	shalt  }
0x71: {  	_ =	shalt  }
0x72: {  	_ =	shalt  }
0x73: {  	_ =	shalt  }
0x74: {  	_ =	shalt  }
0x75: {  	_ =	shalt  }
0x76: {  	_ =	shalt  }
0x77: {  	_ =	shalt  }
0x78: {  	_ =	shalt  }
0x79: {  	_ =	shalt  }
0x7a: {  	_ =	shalt  }
0x7b: {  	_ =	shalt  }
0x7c: {  	_ =	shalt  }
0x7d: {  	_ =	shalt  }
0x7e: {  	_ =	shalt  }
0x7f: {  	_ =	shalt  }
0x80: {  	_ =	shalt  }
0x81: {  	_ =	shalt  }
0x82: {  	_ =	shalt  }
0x83: {  	_ =	shalt  }
0x84: {  	_ =	shalt  }
0x85: {  	_ =	shalt  }
0x86: {  	_ =	shalt  }
0x87: {  	_ =	shalt  }
.Lfunc_end0:
.L_simem_size_0:
called_computation.1_lowered:
.L_overlay_start_0:
0x88: {  	s2 =	sld [smem:$0x3FD9]  }
0x89: {  	s3 =	sld [smem:$0x3FFE];
	_ =	sdelay $0x1  }
0x8a: {  	s1 =	srdreg.scid  }
0x8b: {  	s0 =	sand.u32 $0x1, s1  }
0x8c: {  	s16 =	sshll.u32 s0, $0xA;
	s2 =	sadd.s32 s3, s2  }
0x8d: {  	s2 =	sadd.s32 s2, s16  }
0x8e: {  	[smem:$0x3FC6] =	sst s2  }
0x8f: {  	_ = 	snop  }
0x90: {  	(tm) =	ssettm $0x1  }
0x91: {  	s17 =	sld [smem:$0x3FFB];
	_ =	sdelay $0x3  }
0x92: {  	_ =	strace s17  }
0x93: {  	s2 =	sld [smem:$0x3FFC];
	_ =	sdelay $0x3  }
0x94: {  	_ =	strace s2  }
0x95: {  	s2 =	sld [smem:$0x3FFD];
	_ =	sdelay $0x3  }
0x96: {  	_ =	strace s2  }
0x97: {  	_ =	strace $0x8FFFFFFF  }
0x98: {  	s18 =	sld [smem:$0x3FDB];
	_ =	sdelay $0x1  }
0x99: {  	s19 =	simm.s32 $_scs_section_size  }
0x9a: {  	s4 =	simm.s32 $_size__tile_overlayer_lowered;
	s5 =	simm.s32 $_tile_overlayer_lowered  }
0x9b: {  	s22 =	simm.s32 $0x1BFF;
	s21 =	sshll.u32 s5, $0x1;
	s2 =	sadd.s32 s19, s18  }
0x9c: {  	s6 =	simm.s32 $0x0;
	s20 =	sshll.u32 s4, $0x1;
	s4 =	sadd.s32 s21, s2  }
0x9d: {  	[timem:s6], [sflag:s22] =	dma.local [hbm:s4], s20  }
0x9e: {  	_ =	swait.ge [sflag:s22], s20  }
0x9f: {  	s3 =	ssub.s32 $0x0, s20;
	[sflag:s22] =	ssyncset.done $0x0  }
0xa0: {  	[sflag:s22] =	ssyncadd.s32 s3;
	_ =	sdelay $0x1  }
0xa1: {  	s23 =	simm.s32 $0x1B8B  }
0xa2: {  	_ =	swait.ge [sflag:s23], $0x1  }
0xa3: {  	[sflag:s23] =	ssyncset.done $0x0  }
0xa4: {  	s25 =	simm.s32 $0x1B8E;
	s24 =	sld [smem:$0x3FFE];
	[sflag:s23] =	ssyncadd.s32 $0xFFFFFFFF  }
0xa5: {  	s26 =	simm.s32 $execute0_lowered;
	[smem:$0x3FD2] =	sst s25  }
0xa6: {  	s4 =	sshll.u32 s26, $0x1;
	_ =	strace $0x80000046;
	[dreg:$0x1] =	wrdreg $0xFFFFFFFF  }
0xa7: {  	s28 =	simm.s32 $_size_execute0_lowered;
	s2 =	sadd.s32 s2, s4;
	[dreg:$0x0] =	wrdreg $0x0  }
0xa8: {  	s4 =	sshll.u32 s28, $0x1;
	[dreg:$0x2] =	wrdreg s2  }
0xa9: {  	[dreg:$0x3] =	wrdreg s4  }
0xaa: {  	[dreg:$0x4] =	wrdreg $0xC0  }
0xab: {  	_ =	task [dreg:s6], $0x5FFFF  }
0xac: {  	[dreg:$0x1] =	wrdreg $0xFFFFFFFF  }
0xad: {  	[dreg:$0x0] =	wrdreg $0x60  }
0xae: {  	[dreg:$0x2] =	wrdreg s24  }
0xaf: {  	[dreg:$0x3] =	wrdreg $0x9  }
0xb0: {  	_ =	task.clear_ibuf [dreg:s6], $0x4FFFF;
	_ =	strace $0x90000046  }
0xb1: {  	s29 =	simm.s32 $0x9;
	_ =	strace $0x80000048  }
0xb2: {  	_ =	swait.ge [sflag:s29], $0x1  }
0xb3: {  	[sflag:s29] =	ssyncadd.s32 $0xFFFFFFFF  }
0xb4: {  	_ =	strace $0x90000048  }
0xb5: {  	_ =	sfence  }
0xb6: {  	s30 =	sld [smem:$0x0];
	_ =	sdelay $0x2  }
0xb7: {  	s31 =	sshll.u32 s1, $0xD;
	s1 =	sshrl.u32 s1, $0x2  }
0xb8: {  	s3 =	sand.u32 $0x4000, s31;
	s1 =	sadd.s32 s1, s30  }
0xb9: {  	s0 =	sor.u32 s3, s0;
	s1 =	sshll.u32 s1, $0x11  }
0xba: {  	s0 =	sor.u32 s1, s0  }
0xbb: {  	s0 =	sadd.s32 $0x8F2B, s0  }
0xbc: {  	[sflag:s0] =	ssyncadd.remote.s32 $0x1  }
0xbd: {  	_ =	sfence.sel $0xFFFF  }
0xbe: {  	[dreg:$0x0] =	wrdreg $0xFFFFFFFF;
	(pc) =	sbr.abs _section_cstart, $3  }
0xbf: {  	[dreg:$0x1] =	wrdreg $0xFFFFFFFF  }
0xc0: {  	_ =	task.clear_ibuf [dreg:s6], $0x2FFFF;
	_ =	strace $0x9FFFFFFF  }
0xc1: {  	(tm) =	ssettm $0x7FFFFFFF  }
tec
execute0_lowered:
.L_overlay_start_1:
0x0: {  	(tag) =	ssettag $0x1  }
0x1: {  	s0 =	rddreg [dreg:$0x0]  }
0x2: {  	s1 =	srdreg.scid;
	s3 =	stileid.u32  }
0x3: {  	s2 =	simm.s32 $0x0;
	s31 =	simm.s32 $0x8880;
	s11 =	simm.s32 $0xA880  }
0x4: {  	s12 =	simm.s32 $0xB080;
	s13 =	simm.s32 $0xB880;
	s14 =	simm.s32 $0xC080  }
0x5: {  	s15 =	simm.s32 $0xC880;
	s16 =	simm.s32 $0xD080;
	s17 =	simm.s32 $0xD880  }
0x6: {  	s18 =	simm.s32 $0x1;
	s19 =	simm.s32 $0xE080;
	s20 =	simm.s32 $0x2  }
0x7: {  	s21 =	simm.s32 $0x3;
	s23 =	simm.s32 $0x0;
	s1 =	sand.u32 $0x1, s1  }
0x8: {  	s3 =	sshll.u32 s3, $0x5;
	[smem:$0x7FF] =	sst s2;
	s5 =	sadd.s32 $0x22000, s0  }
0x9: {  	s8 =	sadd.s32 $0x2E00, s0;
	s9 =	sadd.s32 $0x2F00, s0;
	s10 =	sadd.s32 $0xC10, s0  }
0xa: {  	s4 =	sshll.u32 s1, $0x4;
	_ =	strace $0x80000047;
	s1 =	ssub.s32 $0x2, s1  }
.Ltmp0:
0xb: {  	s3 =	sor.u32 s4, s3;
	s7 =	sshrl.u32 s1, $0x1;
	(pc) =	sbr.rel .LBB2_1-.Ltmp0, $4  }
0xc: {  	s4 =	sshll.u32 s3, $0x4;
	s1 =	ssub.s32 s1, s7;
	s7 =	sadd.s32 $0x2D00, s0  }
0xd: {  	v2 =	vlaneseq.u32;
	s6 =	sadd.s32 s4, s0;
	s4 =	sadd.s32 $0x2C00, s0;
	s30 =	smax.u32 s1, $0x1  }
0xe: {  	vm0 =	vmmov $0xffff;
	v1 =	vshrl.u32 v2, $0x3;
	s0 =	simm.s32 $0x9080;
	s6 =	sadd.s32 $0xC00, s6;
	[dreg:$0x3] =	wrdreg s30  }
0xf: {  	v0 =	vand.u32 $0x7, v2;
	v2 =	vor.u32 $0x8, v2;
	v1 =	vmul.u32 $0x8, v1;
	s1 =	simm.s32 $0x9880;
	[dreg:$0x2] =	wrdreg s6;
	s6 =	simm.s32 $0xA080  }
.LBB2_6:
0x10: {  	_ =	swait.ge [sflag:s20], $0xE000  }
0x11: {  	s23 =	rddreg [dreg:$0x4]  }
0x12: {  	s22 =	rddreg [dreg:$0x3];
	s23 =	sadd.s32 $0x1, s23  }
0x13: {  	p0 =	sne.s32 s23, s22  }
.Ltmp1:
0x14: {  	_ = 	snop;
	(pc) =	sbr.rel @!p0 .LBB2_7-.Ltmp1, $3  }
0x15: {  	_ =	sdelay $0x1  }
0x16: {  	[sflag:s20] =	ssyncset.done $0x0  }
0x17: {  	[sflag:s20] =	ssyncadd.s32 $0xFFFF2000  }
.LBB2_1:
0x18: {  	[dreg:$0x4] =	wrdreg s23  }
0x19: {  	s22 =	rddreg [dreg:$0x2];
	s26 =	simm.s32 $0x4  }
0x1a: {  	[tilespmem:s2], [sflag:$0x4] =	stream.linear.gather [hbm4b:s22+s2], $0x80, $0x38;
	[tilespmem:$0x1C080] =	vst v63  }
0x1b: {  	_ =	swait.ge [sflag:s26], $0x80  }
0x1c: {  	[sflag:s26] =	ssyncset.done $0x0  }
0x1d: {  	[sflag:s26] =	ssyncadd.s32 $0xFFFFFF80  }
0x1e: {  	v3 =	vld [tilespmem:$0x0];
	_ =	sdelay $0x4  }
0x1f: {  	v4 =	vshll.u32 v3, $0x3  }
0x20: {  	v3 =	vand.u32 $0x7, v3;
	v4 =	vand.u32 $0xFFFFFFC0, v4  }
0x21: {  	v3 =	vor.u32 v3, v4  }
0x22: {  	v4 =	vperm.xlane v3, v0;
	_ =	sdelay $0x1  }
0x23: {  	v4 =	vadd.s32 v1, v4;
	_ =	sdelay $0x3  }
0x24: {  	s28 =	simm.s32 $0x80  }
0x25: {  	[tilespmem:s28], [sflag:$0x1] =	stream.indirect_vreg.gather [hbm4b:s4+s2], $0x80, v4, vm0, $0xb8;
	[tilespmem:$0x1C080] =	vst v63  }
0x26: {  	s29 =	simm.s32 $0x880;
	v3 =	vperm.xlane v3, v2  }
0x27: {  	[tilespmem:s29], [sflag:$0x1] =	stream.indirect_vreg.gather [hbm4b:s7+s2], $0x80, v4, vm0, $0xb8;
	[tilespmem:$0x1C080] =	vst v63  }
0x28: {  	s30 =	simm.s32 $0x1080;
	v3 =	vadd.s32 v1, v3  }
0x29: {  	[tilespmem:s30], [sflag:$0x1] =	stream.indirect_vreg.gather [hbm4b:s8+s2], $0x80, v4, vm0, $0xb8;
	[tilespmem:$0x1C080] =	vst v63  }
0x2a: {  	s23 =	simm.s32 $0x1880  }
0x2b: {  	[tilespmem:s23], [sflag:$0x1] =	stream.indirect_vreg.gather [hbm4b:s9+s2], $0x80, v4, vm0, $0xb8;
	[tilespmem:$0x1C080] =	vst v63  }
0x2c: {  	s24 =	simm.s32 $0x2080  }
0x2d: {  	[tilespmem:s24], [sflag:$0x1] =	stream.indirect_vreg.gather [hbm4b:s4+s2], $0x80, v3, vm0, $0xb8;
	[tilespmem:$0x1C080] =	vst v63  }
0x2e: {  	s25 =	simm.s32 $0x2880  }
0x2f: {  	[tilespmem:s25], [sflag:$0x1] =	stream.indirect_vreg.gather [hbm4b:s7+s2], $0x80, v3, vm0, $0xb8;
	[tilespmem:$0x1C080] =	vst v63  }
0x30: {  	s26 =	simm.s32 $0x3080  }
0x31: {  	[tilespmem:s26], [sflag:$0x1] =	stream.indirect_vreg.gather [hbm4b:s8+s2], $0x80, v3, vm0, $0xb8;
	[tilespmem:$0x1C080] =	vst v63  }
0x32: {  	s28 =	simm.s32 $0x3880  }
0x33: {  	[tilespmem:s28], [sflag:$0x1] =	stream.indirect_vreg.gather [hbm4b:s9+s2], $0x80, v3, vm0, $0xb8;
	[tilespmem:$0x1C080] =	vst v63  }
0x34: {  	v3 =	vld [tilespmem:$0x10];
	_ =	sdelay $0x4  }
0x35: {  	v61 =	vshll.u32 v3, $0x3  }
0x36: {  	v3 =	vand.u32 $0x7, v3;
	v4 =	vand.u32 $0xFFFFFFC0, v61  }
0x37: {  	v3 =	vor.u32 v3, v4  }
0x38: {  	v4 =	vperm.xlane v3, v0;
	_ =	sdelay $0x1  }
0x39: {  	v4 =	vadd.s32 v1, v4;
	_ =	sdelay $0x3  }
0x3a: {  	s29 =	simm.s32 $0x4080  }
0x3b: {  	[tilespmem:s29], [sflag:$0x1] =	stream.indirect_vreg.gather [hbm4b:s4+s2], $0x80, v4, vm0, $0xb8;
	[tilespmem:$0x1C080] =	vst v63  }
0x3c: {  	s30 =	simm.s32 $0x4880;
	v3 =	vperm.xlane v3, v2  }
0x3d: {  	[tilespmem:s30], [sflag:$0x1] =	stream.indirect_vreg.gather [hbm4b:s7+s2], $0x80, v4, vm0, $0xb8;
	[tilespmem:$0x1C080] =	vst v63  }
0x3e: {  	s23 =	simm.s32 $0x5080;
	v3 =	vadd.s32 v1, v3  }
0x3f: {  	[tilespmem:s23], [sflag:$0x1] =	stream.indirect_vreg.gather [hbm4b:s8+s2], $0x80, v4, vm0, $0xb8;
	[tilespmem:$0x1C080] =	vst v63  }
0x40: {  	s24 =	simm.s32 $0x5880  }
0x41: {  	[tilespmem:s24], [sflag:$0x1] =	stream.indirect_vreg.gather [hbm4b:s9+s2], $0x80, v4, vm0, $0xb8;
	[tilespmem:$0x1C080] =	vst v63  }
0x42: {  	s25 =	simm.s32 $0x6080  }
0x43: {  	[tilespmem:s25], [sflag:$0x1] =	stream.indirect_vreg.gather [hbm4b:s4+s2], $0x80, v3, vm0, $0xb8;
	[tilespmem:$0x1C080] =	vst v63  }
0x44: {  	s26 =	simm.s32 $0x6880  }
0x45: {  	[tilespmem:s26], [sflag:$0x1] =	stream.indirect_vreg.gather [hbm4b:s7+s2], $0x80, v3, vm0, $0xb8;
	[tilespmem:$0x1C080] =	vst v63  }
0x46: {  	s28 =	simm.s32 $0x7080  }
0x47: {  	[tilespmem:s28], [sflag:$0x1] =	stream.indirect_vreg.gather [hbm4b:s8+s2], $0x80, v3, vm0, $0xb8;
	[tilespmem:$0x1C080] =	vst v63  }
0x48: {  	s29 =	simm.s32 $0x7880  }
0x49: {  	[tilespmem:s29], [sflag:$0x1] =	stream.indirect_vreg.gather [hbm4b:s9+s2], $0x80, v3, vm0, $0xb8;
	[tilespmem:$0x1C080] =	vst v63  }
0x4a: {  	v3 =	vld [tilespmem:$0x20];
	_ =	sdelay $0x4  }
0x4b: {  	v62 =	vshll.u32 v3, $0x3  }
0x4c: {  	v3 =	vand.u32 $0x7, v3;
	v4 =	vand.u32 $0xFFFFFFC0, v62  }
0x4d: {  	v3 =	vor.u32 v3, v4  }
0x4e: {  	v4 =	vperm.xlane v3, v0;
	_ =	sdelay $0x1  }
0x4f: {  	v4 =	vadd.s32 v1, v4;
	_ =	sdelay $0x3  }
0x50: {  	s30 =	simm.s32 $0x8080  }
0x51: {  	[tilespmem:s30], [sflag:$0x1] =	stream.indirect_vreg.gather [hbm4b:s4+s2], $0x80, v4, vm0, $0xb8;
	[tilespmem:$0x1C080] =	vst v63  }
0x52: {  	v3 =	vperm.xlane v3, v2  }
0x53: {  	[tilespmem:s31], [sflag:$0x1] =	stream.indirect_vreg.gather [hbm4b:s7+s2], $0x80, v4, vm0, $0xb8;
	[tilespmem:$0x1C080] =	vst v63  }
0x54: {  	v3 =	vadd.s32 v1, v3  }
0x55: {  	[tilespmem:s0], [sflag:$0x1] =	stream.indirect_vreg.gather [hbm4b:s8+s2], $0x80, v4, vm0, $0xb8;
	[tilespmem:$0x1C080] =	vst v63  }
0x56: {  	_ = 	snop  }
0x57: {  	[tilespmem:s1], [sflag:$0x1] =	stream.indirect_vreg.gather [hbm4b:s9+s2], $0x80, v4, vm0, $0xb8;
	[tilespmem:$0x1C080] =	vst v63  }
0x58: {  	_ = 	snop  }
0x59: {  	[tilespmem:s6], [sflag:$0x1] =	stream.indirect_vreg.gather [hbm4b:s4+s2], $0x80, v3, vm0, $0xb8;
	[tilespmem:$0x1C080] =	vst v63  }
0x5a: {  	_ = 	snop  }
0x5b: {  	[tilespmem:s11], [sflag:$0x1] =	stream.indirect_vreg.gather [hbm4b:s7+s2], $0x80, v3, vm0, $0xb8;
	[tilespmem:$0x1C080] =	vst v63  }
0x5c: {  	_ = 	snop  }
0x5d: {  	[tilespmem:s12], [sflag:$0x1] =	stream.indirect_vreg.gather [hbm4b:s8+s2], $0x80, v3, vm0, $0xb8;
	[tilespmem:$0x1C080] =	vst v63  }
0x5e: {  	_ = 	snop  }
0x5f: {  	[tilespmem:s13], [sflag:$0x1] =	stream.indirect_vreg.gather [hbm4b:s9+s2], $0x80, v3, vm0, $0xb8;
	[tilespmem:$0x1C080] =	vst v63  }
0x60: {  	v3 =	vld.msk [tilespmem:$0x30], $0xff;
	_ =	sdelay $0x4  }
0x61: {  	v63 =	vshll.u32 v3, $0x3  }
0x62: {  	v3 =	vand.u32 $0x7, v3;
	v4 =	vand.u32 $0xFFFFFFC0, v63  }
0x63: {  	v3 =	vor.u32 v3, v4  }
0x64: {  	v3 =	vperm.xlane v3, v0;
	_ =	sdelay $0x1  }
0x65: {  	v3 =	vadd.s32 v1, v3;
	_ =	sdelay $0x4  }
0x66: {  	[tilespmem:s14], [sflag:$0x1] =	stream.indirect_vreg.gather [hbm4b:s4+s2], $0x80, v3, vm0, $0xb8;
	[tilespmem:$0x1C080] =	vst v63  }
0x67: {  	_ = 	snop  }
0x68: {  	[tilespmem:s15], [sflag:$0x1] =	stream.indirect_vreg.gather [hbm4b:s7+s2], $0x80, v3, vm0, $0xb8;
	[tilespmem:$0x1C080] =	vst v63  }
0x69: {  	_ = 	snop  }
0x6a: {  	[tilespmem:s16], [sflag:$0x1] =	stream.indirect_vreg.gather [hbm4b:s8+s2], $0x80, v3, vm0, $0xb8;
	[tilespmem:$0x1C080] =	vst v63  }
0x6b: {  	s22 =	simm.s32 $0x0  }
0x6c: {  	[tilespmem:s17], [sflag:$0x1] =	stream.indirect_vreg.gather [hbm4b:s9+s2], $0x80, v3, vm0, $0xb8;
	[tilespmem:$0x1C080] =	vst v63  }
.LBB2_2:
0x6d: {  	_ =	swait.ge [sflag:s18], $0xE000  }
0x6e: {  	s23 =	sor.u32 s3, s22;
	p0 =	seq.s32 s22, $0xF;
	[sflag:s18] =	ssyncset.done $0x0  }
0x6f: {  	s24 =	sshll.u32 @!p0 s23, $0x4;
	s25 =	simm.s32 @!p0 $0x0;
	p1 =	seq.s32 @!p0 s22, $0x0  }
0x70: {  	[sflag:s18] =	ssyncadd.s32 $0xFFFF2000;
	s24 =	sadd.s32 @!p0 s24, s10;
	p1 =	por p0, !p1  }
0x71: {  	[tilespmem:s25], [sflag:$0x3] =	stream.linear.gather @!p0 [hbm4b:s24+s25], $0x80, $0x38;
	[tilespmem:$0x1C080] =	vst v63  }
0x72: {  	_ =	swait.ge @p1 [sflag:s20], $0xE000  }
0x73: {  	s26 =	simm.s32 $0x0;
	s28 =	simm.s32 $0x0;
	[sflag:s20] =	ssyncset.done @p1 $0x0  }
0x74: {  	s24 =	simm.s32 $0x0;
	s25 =	simm.s32 $0xFFFF3800;
	[sflag:s20] =	ssyncadd.s32 @p1 $0xFFFF2000  }
.LBB2_3:
0x75: {  	s29 =	sadd.s32 $0xC800, s25  }
0x76: {  	s30 =	sand.u32 $0x380, s28;
	s29 =	sand.u32 $0xE000, s29  }
0x77: {  	s29 =	sor.u32 s30, s29  }
0x78: {  	v3 =	vld [tilespmem:s29+$0x80]  }
0x79: {  	v4 =	vld [tilespmem:s29+$0x90]  }
0x7a: {  	v5 =	vld [tilespmem:s29+$0xA0]  }
0x7b: {  	v6 =	vld [tilespmem:s29+$0xB0]  }
0x7c: {  	v7 =	vld [tilespmem:s29+$0xC0]  }
0x7d: {  	[tilespmem:s29+$0xE080] =	vst v3;
	v3 =	vld [tilespmem:s29+$0xD0]  }
0x7e: {  	v24 =	vld [tilespmem:s29+$0xE0];
	[tilespmem:s29+$0xE090] =	vst v4  }
0x7f: {  	v25 =	vld [tilespmem:s29+$0xF0];
	[tilespmem:s29+$0xE0A0] =	vst v5  }
0x80: {  	v26 =	vld [tilespmem:s29+$0x480];
	[tilespmem:s29+$0xE0B0] =	vst v6  }
0x81: {  	v27 =	vld [tilespmem:s29+$0x490];
	[tilespmem:s29+$0xE0C0] =	vst v7  }
0x82: {  	[tilespmem:s29+$0xE0D0] =	vst v3;
	v3 =	vld [tilespmem:s29+$0x4A0]  }
0x83: {  	v28 =	vld [tilespmem:s29+$0x4B0];
	[tilespmem:s29+$0xE0E0] =	vst v24  }
0x84: {  	v29 =	vld [tilespmem:s29+$0x4C0];
	[tilespmem:s29+$0xE0F0] =	vst v25  }
0x85: {  	v30 =	vld [tilespmem:s29+$0x4D0];
	[tilespmem:s29+$0xE480] =	vst v26  }
0x86: {  	v31 =	vld [tilespmem:s29+$0x4E0];
	[tilespmem:s29+$0xE490] =	vst v27  }
0x87: {  	[tilespmem:s29+$0xE4A0] =	vst v3;
	v3 =	vld [tilespmem:s29+$0x4F0]  }
0x88: {  	v32 =	vld [tilespmem:s29+$0x880];
	[tilespmem:s29+$0xE4B0] =	vst v28  }
0x89: {  	v33 =	vld [tilespmem:s29+$0x890];
	[tilespmem:s29+$0xE4C0] =	vst v29  }
0x8a: {  	v34 =	vld [tilespmem:s29+$0x8A0];
	[tilespmem:s29+$0xE4D0] =	vst v30  }
0x8b: {  	v35 =	vld [tilespmem:s29+$0x8B0];
	[tilespmem:s29+$0xE4E0] =	vst v31  }
0x8c: {  	[tilespmem:s29+$0xE4F0] =	vst v3;
	v3 =	vld [tilespmem:s29+$0x8C0]  }
0x8d: {  	v36 =	vld [tilespmem:s29+$0x8D0];
	[tilespmem:s29+$0xE880] =	vst v32  }
0x8e: {  	v37 =	vld [tilespmem:s29+$0x8E0];
	[tilespmem:s29+$0xE890] =	vst v33  }
0x8f: {  	v38 =	vld [tilespmem:s29+$0x8F0];
	[tilespmem:s29+$0xE8A0] =	vst v34  }
0x90: {  	v39 =	vld [tilespmem:s29+$0xC80];
	[tilespmem:s29+$0xE8B0] =	vst v35  }
0x91: {  	[tilespmem:s29+$0xE8C0] =	vst v3;
	v3 =	vld [tilespmem:s29+$0xC90]  }
0x92: {  	v40 =	vld [tilespmem:s29+$0xCA0];
	[tilespmem:s29+$0xE8D0] =	vst v36  }
0x93: {  	v41 =	vld [tilespmem:s29+$0xCB0];
	[tilespmem:s29+$0xE8E0] =	vst v37  }
0x94: {  	v42 =	vld [tilespmem:s29+$0xCC0];
	[tilespmem:s29+$0xE8F0] =	vst v38  }
0x95: {  	v43 =	vld [tilespmem:s29+$0xCD0];
	[tilespmem:s29+$0xEC80] =	vst v39  }
0x96: {  	[tilespmem:s29+$0xEC90] =	vst v3;
	v3 =	vld [tilespmem:s29+$0xCE0]  }
0x97: {  	v44 =	vld [tilespmem:s29+$0xCF0];
	[tilespmem:s29+$0xECA0] =	vst v40  }
0x98: {  	v45 =	vld [tilespmem:s29+$0x1080];
	[tilespmem:s29+$0xECB0] =	vst v41  }
0x99: {  	v46 =	vld [tilespmem:s29+$0x1090];
	[tilespmem:s29+$0xECC0] =	vst v42  }
0x9a: {  	v47 =	vld [tilespmem:s29+$0x10A0];
	[tilespmem:s29+$0xECD0] =	vst v43  }
0x9b: {  	[tilespmem:s29+$0xECE0] =	vst v3;
	v3 =	vld [tilespmem:s29+$0x10B0]  }
0x9c: {  	v48 =	vld [tilespmem:s29+$0x10C0];
	[tilespmem:s29+$0xECF0] =	vst v44  }
0x9d: {  	v49 =	vld [tilespmem:s29+$0x10D0];
	[tilespmem:s29+$0xF080] =	vst v45  }
0x9e: {  	v50 =	vld [tilespmem:s29+$0x10E0];
	[tilespmem:s29+$0xF090] =	vst v46  }
0x9f: {  	v51 =	vld [tilespmem:s29+$0x10F0];
	[tilespmem:s29+$0xF0A0] =	vst v47  }
0xa0: {  	[tilespmem:s29+$0xF0B0] =	vst v3;
	v3 =	vld [tilespmem:s29+$0x1480]  }
0xa1: {  	v52 =	vld [tilespmem:s29+$0x1490];
	[tilespmem:s29+$0xF0C0] =	vst v48  }
0xa2: {  	v53 =	vld [tilespmem:s29+$0x14A0];
	[tilespmem:s29+$0xF0D0] =	vst v49  }
0xa3: {  	v54 =	vld [tilespmem:s29+$0x14B0];
	[tilespmem:s29+$0xF0E0] =	vst v50  }
0xa4: {  	v55 =	vld [tilespmem:s29+$0x14C0];
	[tilespmem:s29+$0xF0F0] =	vst v51  }
0xa5: {  	[tilespmem:s29+$0xF480] =	vst v3;
	v3 =	vld [tilespmem:s29+$0x14D0]  }
0xa6: {  	v56 =	vld [tilespmem:s29+$0x14E0];
	[tilespmem:s29+$0xF490] =	vst v52  }
0xa7: {  	v57 =	vld [tilespmem:s29+$0x14F0];
	[tilespmem:s29+$0xF4A0] =	vst v53  }
0xa8: {  	v58 =	vld [tilespmem:s29+$0x1880];
	[tilespmem:s29+$0xF4B0] =	vst v54  }
0xa9: {  	v59 =	vld [tilespmem:s29+$0x1890];
	[tilespmem:s29+$0xF4C0] =	vst v55  }
0xaa: {  	[tilespmem:s29+$0xF4D0] =	vst v3;
	v3 =	vld [tilespmem:s29+$0x18A0]  }
0xab: {  	v60 =	vld [tilespmem:s29+$0x18B0];
	[tilespmem:s29+$0xF4E0] =	vst v56  }
0xac: {  	v61 =	vld [tilespmem:s29+$0x18C0];
	[tilespmem:s29+$0xF4F0] =	vst v57  }
0xad: {  	v62 =	vld [tilespmem:s29+$0x18D0];
	[tilespmem:s29+$0xF880] =	vst v58  }
0xae: {  	v63 =	vld [tilespmem:s29+$0x18E0];
	[tilespmem:s29+$0xF890] =	vst v59  }
0xaf: {  	[tilespmem:s29+$0xF8A0] =	vst v3;
	v3 =	vld [tilespmem:s29+$0x18F0]  }
0xb0: {  	[tilespmem:s29+$0xF8B0] =	vst v60  }
0xb1: {  	s30 =	sand.u32 $0x7, s24;
	[tilespmem:s29+$0xF8C0] =	vst v61  }
0xb2: {  	s30 =	sshll.u32 s30, $0x7;
	[tilespmem:s29+$0xF8D0] =	vst v62  }
0xb3: {  	s30 =	sadd.s32 s30, s26;
	[tilespmem:s29+$0xF8E0] =	vst v63  }
0xb4: {  	[tilespmem:s29+$0xF8F0] =	vst v3;
	s29 =	sor.u32 $0x1C00, s30  }
0xb5: {  	v3 =	vld [tilespmem:s29+$0x80];
	_ =	sdelay $0x4  }
0xb6: {  	[tilespmem:s29+$0xE080] =	vst v3;
	s29 =	sor.u32 $0x1C10, s30  }
0xb7: {  	v3 =	vld [tilespmem:s29+$0x80];
	_ =	sdelay $0x4  }
0xb8: {  	[tilespmem:s29+$0xE080] =	vst v3;
	s29 =	sor.u32 $0x1C20, s30  }
0xb9: {  	v3 =	vld [tilespmem:s29+$0x80];
	_ =	sdelay $0x4  }
0xba: {  	[tilespmem:s29+$0xE080] =	vst v3;
	s29 =	sor.u32 $0x1C30, s30  }
0xbb: {  	v3 =	vld [tilespmem:s29+$0x80];
	_ =	sdelay $0x4  }
0xbc: {  	[tilespmem:s29+$0xE080] =	vst v3;
	s29 =	sor.u32 $0x1C40, s30  }
0xbd: {  	v3 =	vld [tilespmem:s29+$0x80];
	_ =	sdelay $0x4  }
0xbe: {  	[tilespmem:s29+$0xE080] =	vst v3;
	s29 =	sor.u32 $0x1C50, s30  }
0xbf: {  	v3 =	vld [tilespmem:s29+$0x80];
	_ =	sdelay $0x4  }
0xc0: {  	s30 =	sor.u32 $0x1C60, s30;
	[tilespmem:s29+$0xE080] =	vst v3  }
0xc1: {  	p1 =	sne.s32 s28, $0x1880;
	v3 =	vld.msk [tilespmem:s30+$0x80], $0xff  }
.Ltmp2:
0xc2: {  	_ = 	snop;
	(pc) =	sbr.rel @p1 .LBB2_3-.Ltmp2, $3  }
0xc3: {  	_ =	sdelay $0x1  }
0xc4: {  	s25 =	sadd.s32 $0x400, s25  }
0xc5: {  	s28 =	sadd.s32 $0x80, s28;
	s24 =	sadd.s32 $0x1, s24;
	s26 =	sadd.s32 $0x400, s26;
	[tilespmem:s30+$0xE080] =	vst.msk $0xff, v3  }
.Ltmp3:
0xc6: {  	(pc) =	sbr.rel @p0 .LBB2_6-.Ltmp3, $3  }
0xc7: {  	s23 =	smul.u32 $0x1C00, s23;
	_ =	sdelay $0x1  }
0xc8: {  	s23 =	sadd.s32 s5, s23  }
0xc9: {  	[hbm4b:s23+s2] =	stream.linear.scatter [tilespmem:s19], [sflag:$0x2], $0xE000, $0x38;
	[tilespmem:$0x1C080] =	vst v63  }
0xca: {  	_ =	swait.ge [sflag:s21], $0x80  }
0xcb: {  	[sflag:s21] =	ssyncset.done $0x0  }
0xcc: {  	[sflag:s21] =	ssyncadd.s32 $0xFFFFFF80  }
0xcd: {  	v3 =	vld [tilespmem:$0x0];
	_ =	sdelay $0x4  }
0xce: {  	v4 =	vshll.u32 v3, $0x3  }
0xcf: {  	v3 =	vand.u32 $0x7, v3;
	v4 =	vand.u32 $0xFFFFFFC0, v4  }
0xd0: {  	v3 =	vor.u32 v3, v4  }
0xd1: {  	v4 =	vperm.xlane v3, v0;
	_ =	sdelay $0x1  }
0xd2: {  	v4 =	vadd.s32 v1, v4;
	_ =	sdelay $0x3  }
0xd3: {  	s23 =	simm.s32 $0x80  }
0xd4: {  	[tilespmem:s23], [sflag:$0x1] =	stream.indirect_vreg.gather [hbm4b:s4+s2], $0x80, v4, vm0, $0xb8;
	[tilespmem:$0x1C080] =	vst v63  }
0xd5: {  	s26 =	simm.s32 $0x880;
	v3 =	vperm.xlane v3, v2  }
0xd6: {  	[tilespmem:s26], [sflag:$0x1] =	stream.indirect_vreg.gather [hbm4b:s7+s2], $0x80, v4, vm0, $0xb8;
	[tilespmem:$0x1C080] =	vst v63  }
0xd7: {  	s28 =	simm.s32 $0x1080;
	v3 =	vadd.s32 v1, v3  }
0xd8: {  	[tilespmem:s28], [sflag:$0x1] =	stream.indirect_vreg.gather [hbm4b:s8+s2], $0x80, v4, vm0, $0xb8;
	[tilespmem:$0x1C080] =	vst v63  }
0xd9: {  	s29 =	simm.s32 $0x1880  }
0xda: {  	[tilespmem:s29], [sflag:$0x1] =	stream.indirect_vreg.gather [hbm4b:s9+s2], $0x80, v4, vm0, $0xb8;
	[tilespmem:$0x1C080] =	vst v63  }
0xdb: {  	s30 =	simm.s32 $0x2080  }
0xdc: {  	[tilespmem:s30], [sflag:$0x1] =	stream.indirect_vreg.gather [hbm4b:s4+s2], $0x80, v3, vm0, $0xb8;
	[tilespmem:$0x1C080] =	vst v63  }
0xdd: {  	s24 =	simm.s32 $0x2880  }
0xde: {  	[tilespmem:s24], [sflag:$0x1] =	stream.indirect_vreg.gather [hbm4b:s7+s2], $0x80, v3, vm0, $0xb8;
	[tilespmem:$0x1C080] =	vst v63  }
0xdf: {  	s25 =	simm.s32 $0x3080  }
0xe0: {  	[tilespmem:s25], [sflag:$0x1] =	stream.indirect_vreg.gather [hbm4b:s8+s2], $0x80, v3, vm0, $0xb8;
	[tilespmem:$0x1C080] =	vst v63  }
0xe1: {  	s26 =	simm.s32 $0x3880  }
0xe2: {  	[tilespmem:s26], [sflag:$0x1] =	stream.indirect_vreg.gather [hbm4b:s9+s2], $0x80, v3, vm0, $0xb8;
	[tilespmem:$0x1C080] =	vst v63  }
0xe3: {  	v3 =	vld [tilespmem:$0x10];
	_ =	sdelay $0x4  }
0xe4: {  	v61 =	vshll.u32 v3, $0x3  }
0xe5: {  	v3 =	vand.u32 $0x7, v3;
	v4 =	vand.u32 $0xFFFFFFC0, v61  }
0xe6: {  	v3 =	vor.u32 v3, v4  }
0xe7: {  	v4 =	vperm.xlane v3, v0;
	_ =	sdelay $0x1  }
0xe8: {  	v4 =	vadd.s32 v1, v4;
	_ =	sdelay $0x3  }
0xe9: {  	s28 =	simm.s32 $0x4080  }
0xea: {  	[tilespmem:s28], [sflag:$0x1] =	stream.indirect_vreg.gather [hbm4b:s4+s2], $0x80, v4, vm0, $0xb8;
	[tilespmem:$0x1C080] =	vst v63  }
0xeb: {  	s29 =	simm.s32 $0x4880;
	v3 =	vperm.xlane v3, v2  }
0xec: {  	[tilespmem:s29], [sflag:$0x1] =	stream.indirect_vreg.gather [hbm4b:s7+s2], $0x80, v4, vm0, $0xb8;
	[tilespmem:$0x1C080] =	vst v63  }
0xed: {  	s30 =	simm.s32 $0x5080;
	v3 =	vadd.s32 v1, v3  }
0xee: {  	[tilespmem:s30], [sflag:$0x1] =	stream.indirect_vreg.gather [hbm4b:s8+s2], $0x80, v4, vm0, $0xb8;
	[tilespmem:$0x1C080] =	vst v63  }
0xef: {  	s24 =	simm.s32 $0x5880  }
0xf0: {  	[tilespmem:s24], [sflag:$0x1] =	stream.indirect_vreg.gather [hbm4b:s9+s2], $0x80, v4, vm0, $0xb8;
	[tilespmem:$0x1C080] =	vst v63  }
0xf1: {  	s25 =	simm.s32 $0x6080  }
0xf2: {  	[tilespmem:s25], [sflag:$0x1] =	stream.indirect_vreg.gather [hbm4b:s4+s2], $0x80, v3, vm0, $0xb8;
	[tilespmem:$0x1C080] =	vst v63  }
0xf3: {  	s26 =	simm.s32 $0x6880  }
0xf4: {  	[tilespmem:s26], [sflag:$0x1] =	stream.indirect_vreg.gather [hbm4b:s7+s2], $0x80, v3, vm0, $0xb8;
	[tilespmem:$0x1C080] =	vst v63  }
0xf5: {  	s28 =	simm.s32 $0x7080  }
0xf6: {  	[tilespmem:s28], [sflag:$0x1] =	stream.indirect_vreg.gather [hbm4b:s8+s2], $0x80, v3, vm0, $0xb8;
	[tilespmem:$0x1C080] =	vst v63  }
0xf7: {  	s29 =	simm.s32 $0x7880  }
0xf8: {  	[tilespmem:s29], [sflag:$0x1] =	stream.indirect_vreg.gather [hbm4b:s9+s2], $0x80, v3, vm0, $0xb8;
	[tilespmem:$0x1C080] =	vst v63  }
0xf9: {  	v3 =	vld [tilespmem:$0x20];
	_ =	sdelay $0x4  }
0xfa: {  	v62 =	vshll.u32 v3, $0x3  }
0xfb: {  	v3 =	vand.u32 $0x7, v3;
	v4 =	vand.u32 $0xFFFFFFC0, v62  }
0xfc: {  	v3 =	vor.u32 v3, v4  }
0xfd: {  	v4 =	vperm.xlane v3, v0;
	_ =	sdelay $0x1  }
0xfe: {  	v4 =	vadd.s32 v1, v4;
	_ =	sdelay $0x3  }
0xff: {  	s30 =	simm.s32 $0x8080  }
0x100: {  	[tilespmem:s30], [sflag:$0x1] =	stream.indirect_vreg.gather [hbm4b:s4+s2], $0x80, v4, vm0, $0xb8;
	[tilespmem:$0x1C080] =	vst v63  }
0x101: {  	v3 =	vperm.xlane v3, v2  }
0x102: {  	[tilespmem:s31], [sflag:$0x1] =	stream.indirect_vreg.gather [hbm4b:s7+s2], $0x80, v4, vm0, $0xb8;
	[tilespmem:$0x1C080] =	vst v63  }
0x103: {  	v3 =	vadd.s32 v1, v3  }
0x104: {  	[tilespmem:s0], [sflag:$0x1] =	stream.indirect_vreg.gather [hbm4b:s8+s2], $0x80, v4, vm0, $0xb8;
	[tilespmem:$0x1C080] =	vst v63  }
0x105: {  	_ = 	snop  }
0x106: {  	[tilespmem:s1], [sflag:$0x1] =	stream.indirect_vreg.gather [hbm4b:s9+s2], $0x80, v4, vm0, $0xb8;
	[tilespmem:$0x1C080] =	vst v63  }
0x107: {  	_ = 	snop  }
0x108: {  	[tilespmem:s6], [sflag:$0x1] =	stream.indirect_vreg.gather [hbm4b:s4+s2], $0x80, v3, vm0, $0xb8;
	[tilespmem:$0x1C080] =	vst v63  }
0x109: {  	_ = 	snop  }
0x10a: {  	[tilespmem:s11], [sflag:$0x1] =	stream.indirect_vreg.gather [hbm4b:s7+s2], $0x80, v3, vm0, $0xb8;
	[tilespmem:$0x1C080] =	vst v63  }
0x10b: {  	_ = 	snop  }
0x10c: {  	[tilespmem:s12], [sflag:$0x1] =	stream.indirect_vreg.gather [hbm4b:s8+s2], $0x80, v3, vm0, $0xb8;
	[tilespmem:$0x1C080] =	vst v63  }
0x10d: {  	_ = 	snop  }
0x10e: {  	[tilespmem:s13], [sflag:$0x1] =	stream.indirect_vreg.gather [hbm4b:s9+s2], $0x80, v3, vm0, $0xb8;
	[tilespmem:$0x1C080] =	vst v63  }
0x10f: {  	v3 =	vld.msk [tilespmem:$0x30], $0xff;
	_ =	sdelay $0x4  }
0x110: {  	v63 =	vshll.u32 v3, $0x3  }
0x111: {  	v3 =	vand.u32 $0x7, v3;
	v4 =	vand.u32 $0xFFFFFFC0, v63  }
0x112: {  	v3 =	vor.u32 v3, v4  }
0x113: {  	v3 =	vperm.xlane v3, v0;
	_ =	sdelay $0x1  }
0x114: {  	v3 =	vadd.s32 v1, v3;
	_ =	sdelay $0x4  }
0x115: {  	[tilespmem:s14], [sflag:$0x1] =	stream.indirect_vreg.gather [hbm4b:s4+s2], $0x80, v3, vm0, $0xb8;
	[tilespmem:$0x1C080] =	vst v63  }
0x116: {  	_ = 	snop  }
0x117: {  	[tilespmem:s15], [sflag:$0x1] =	stream.indirect_vreg.gather [hbm4b:s7+s2], $0x80, v3, vm0, $0xb8;
	[tilespmem:$0x1C080] =	vst v63  }
.Ltmp4:
0x118: {  	_ = 	snop;
	(pc) =	sbr.rel .LBB2_2-.Ltmp4, $4  }
0x119: {  	_ = 	snop  }
0x11a: {  	[tilespmem:s16], [sflag:$0x1] =	stream.indirect_vreg.gather [hbm4b:s8+s2], $0x80, v3, vm0, $0xb8;
	[tilespmem:$0x1C080] =	vst v63  }
0x11b: {  	s22 =	sadd.s32 $0x1, s22  }
0x11c: {  	[tilespmem:s17], [sflag:$0x1] =	stream.indirect_vreg.gather [hbm4b:s9+s2], $0x80, v3, vm0, $0xb8;
	[tilespmem:$0x1C080] =	vst v63  }
.LBB2_7:
0x11d: {  	_ =	sfence.sel $0x180000  }
0x11e: {  	[bflag:$0x0] =	sbarrier.arrive $0xFFFF  }
0x11f: {  	_ =	strace $0x90000047  }
0x120: {  	s0 =	stileid.u32;
	[bflag:$0x2] =	sbarrier.arrive $0xFFFF  }
0x121: {  	p0 =	sne.s32 s0, $0x0;
	s0 =	rddreg [dreg:$0x1]  }
0x122: {  	s0 =	sadd.s32 @!p0 $0x100000, s0  }
0x123: {  	[sflag:s0] =	ssyncadd.tile.s32 @!p0 $0x1;
	_ =	shalt  }
.Lfunc_end2:
_tile_overlayer_lowered:
.L_overlay_start_2:
0x124: {  	(tag) =	ssettag $0x2  }
0x125: {  	s0 =	rddreg [dreg:$0x0];
	s2 =	stileid.u32  }
0x126: {  	s1 =	rddreg [dreg:$0x1];
	p0 =	sne.s32 s2, $0x0  }
0x127: {  	s3 =	rddreg [dreg:$0x2];
	[bflag:$0x3] =	sbarrier.arrive $0xFFFF;
	s2 =	simm.s32 @!p0 $0x1C04  }
0x128: {  	[timem:s3], [sflag:s2] =	dma.local @!p0 [hbm:s0], s1  }
0x129: {  	s0 =	simm.s32 @!p0 $0x4  }
0x12a: {  	_ =	swait.ge @!p0 [sflag:s0], s1  }
0x12b: {  	s1 =	ssub.s32 @!p0 $0x0, s1;
	[sflag:s0] =	ssyncset.done @!p0 $0x0  }
0x12c: {  	[sflag:s0] =	ssyncadd.s32 @!p0 s1  }
0x12d: {  	[bflag:$0x3] =	sbarrier.arrive $0xFFFF  }
0x12e: {  	_ =	shalt  }

// kernel: sparse-core-data-format-call.cloned.1.call-start
scs
called_computation_lowered:
.L_overlay_start_0:
0x0: {  	s2 =	sld [smem:$0x3FD9]  }
0x1: {  	s3 =	sld [smem:$0x3FFE];
	_ =	sdelay $0x1  }
0x2: {  	s1 =	srdreg.scid  }
0x3: {  	s0 =	sand.u32 $0x1, s1  }
0x4: {  	s18 =	sshll.u32 s0, $0xA;
	s2 =	sadd.s32 s3, s2  }
0x5: {  	s2 =	sadd.s32 s2, s18  }
0x6: {  	[smem:$0x3FC6] =	sst s2  }
0x7: {  	_ = 	snop  }
0x8: {  	s2 =	sld [smem:$0x3FD0];
	(tm) =	ssettm $0x1  }
0x9: {  	s19 =	sld [smem:$0x3FFB];
	_ =	sdelay $0x3  }
0xa: {  	_ =	strace s19  }
0xb: {  	s3 =	sld [smem:$0x3FFC];
	_ =	sdelay $0x3  }
0xc: {  	_ =	strace s3  }
0xd: {  	s3 =	sld [smem:$0x3FFD];
	_ =	sdelay $0x3  }
0xe: {  	_ =	strace s3  }
0xf: {  	_ =	strace $0x8FFFFFFF  }
0x10: {  	s20 =	sld [smem:$0x3FDB];
	_ =	sdelay $0x1  }
0x11: {  	s4 =	simm.s32 $_scs_section_size  }
0x12: {  	s5 =	simm.s32 $_size__tile_overlayer_lowered;
	s6 =	simm.s32 $_tile_overlayer_lowered  }
0x13: {  	s23 =	simm.s32 $0x1BFF;
	s22 =	sshll.u32 s6, $0x1;
	s3 =	sadd.s32 s4, s20  }
0x14: {  	s7 =	simm.s32 $0x0;
	s21 =	sshll.u32 s5, $0x1;
	s5 =	sadd.s32 s22, s3  }
0x15: {  	[timem:s7], [sflag:s23] =	dma.local [hbm:s5], s21  }
0x16: {  	_ =	swait.ge [sflag:s23], s21  }
0x17: {  	s4 =	ssub.s32 $0x0, s21;
	[sflag:s23] =	ssyncset.done $0x0  }
0x18: {  	[sflag:s23] =	ssyncadd.s32 s4;
	_ =	sdelay $0x1  }
0x19: {  	s24 =	simm.s32 $0x1B8B  }
0x1a: {  	_ =	swait.ge [sflag:s24], $0x1  }
0x1b: {  	[sflag:s24] =	ssyncset.done $0x0  }
0x1c: {  	s26 =	simm.s32 $0x1B8E;
	s25 =	sld [smem:$0x3FFE];
	[sflag:s24] =	ssyncadd.s32 $0xFFFFFFFF  }
0x1d: {  	s27 =	simm.s32 $execute0_lowered;
	[smem:$0x3FD2] =	sst s26  }
0x1e: {  	s5 =	sshll.u32 s27, $0x1;
	_ =	strace $0x80000049;
	[dreg:$0x1] =	wrdreg $0xFFFFFFFF  }
0x1f: {  	s28 =	simm.s32 $_size_execute0_lowered;
	s3 =	sadd.s32 s3, s5;
	[dreg:$0x0] =	wrdreg $0x0  }
0x20: {  	s5 =	sshll.u32 s28, $0x1;
	[dreg:$0x2] =	wrdreg s3  }
0x21: {  	[dreg:$0x3] =	wrdreg s5  }
0x22: {  	[dreg:$0x4] =	wrdreg $0xC0  }
0x23: {  	_ =	task [dreg:s7], $0x5FFFF  }
0x24: {  	[dreg:$0x1] =	wrdreg $0xFFFFFFFF  }
0x25: {  	[dreg:$0x0] =	wrdreg $0x60  }
0x26: {  	[dreg:$0x2] =	wrdreg s25  }
0x27: {  	[dreg:$0x3] =	wrdreg s2  }
0x28: {  	[dreg:$0x4] =	wrdreg $0x9  }
0x29: {  	_ =	task.clear_ibuf [dreg:s7], $0x5FFFF;
	_ =	strace $0x90000049  }
0x2a: {  	s29 =	simm.s32 $0x9;
	_ =	strace $0x8000004B  }
0x2b: {  	_ =	swait.ge [sflag:s29], $0x1  }
0x2c: {  	[sflag:s29] =	ssyncadd.s32 $0xFFFFFFFF  }
0x2d: {  	_ =	strace $0x9000004B  }
0x2e: {  	_ =	sfence  }
0x2f: {  	s30 =	sld [smem:$0x0];
	_ =	sdelay $0x2  }
0x30: {  	s31 =	sshll.u32 s1, $0xD;
	s1 =	sshrl.u32 s1, $0x2  }
0x31: {  	s3 =	sand.u32 $0x4000, s31;
	s1 =	sadd.s32 s1, s30  }
0x32: {  	s0 =	sor.u32 s3, s0;
	s1 =	sshll.u32 s1, $0x11  }
0x33: {  	s0 =	sor.u32 s1, s0  }
0x34: {  	s0 =	sadd.s32 $0x8F2B, s0  }
0x35: {  	[sflag:s0] =	ssyncadd.remote.s32 $0x1  }
0x36: {  	_ =	sfence.sel $0xFFFF  }
0x37: {  	[dreg:$0x0] =	wrdreg $0xFFFFFFFF;
	(pc) =	sbr.abs _section_cstart, $3  }
0x38: {  	[dreg:$0x1] =	wrdreg $0xFFFFFFFF  }
0x39: {  	_ =	task.clear_ibuf [dreg:s7], $0x2FFFF;
	_ =	strace $0x9FFFFFFF  }
0x3a: {  	(tm) =	ssettm $0x7FFFFFFF  }
0x3b: {  	_ =	shalt  }
tec
execute0_lowered:
.L_overlay_start_1:
0x0: {  	(tag) =	ssettag $0x1  }
0x1: {  	s4 =	rddreg [dreg:$0x0]  }
0x2: {  	s0 =	stileid.u32;
	s2 =	rddreg [dreg:$0x1]  }
0x3: {  	s7 =	srdreg.scid;
	s31 =	simm.s32 $0x2;
	s17 =	simm.s32 $0x0  }
0x4: {  	s9 =	simm.s32 $0x2000;
	s19 =	simm.s32 $0x0;
	s18 =	simm.s32 $0x0  }
0x5: {  	s10 =	simm.s32 $0x0;
	s11 =	simm.s32 $0x0;
	s1 =	sshll.u32 s0, $0x7  }
0x6: {  	s12 =	simm.s32 $0x0;
	s14 =	simm.s32 $0x0;
	s3 =	sand.u32 $0x380, s1  }
0x7: {  	s16 =	simm.s32 $0x0;
	s4 =	sadd.s32 $0x3A2000, s4;
	s5 =	ssub.s32 $0x400, s3  }
0x8: {  	s8 =	sshll.u32 s0, $0x4;
	s7 =	sshll.u32 s7, $0x8;
	s6 =	sand.u32 $0x380, s5  }
0x9: {  	s1 =	rddreg [dreg:$0x2];
	p0 =	sne.s32 s6, $0x0;
	s6 =	simm.s32 $0x1  }
.Ltmp0:
0xa: {  	s5 =	sshrl.u32 s5, $0xA;
	s6 =	simm.s32 @!p0 $0x0;
	(pc) =	sbr.rel .LBB1_1-.Ltmp0, $4  }
0xb: {  	_ =	strace $0x8000004A;
	s7 =	sor.u32 s8, s7;
	s6 =	sadd.s32 s6, s5  }
0xc: {  	s7 =	sand.u32 $0x180, s7;
	s5 =	simm.s32 $0x1;
	s6 =	smul.u32 $0x64, s6  }
0xd: {  	s15 =	smov.u32 s3;
	s13 =	smov.u32 s7;
	[sflag:s5] =	ssyncpa.u1 $0x0  }
0xe: {  	p0 =	por $0x0, $0x0;
	[sflag:s31] =	ssyncpa.u1 $0x0;
	s8 =	sor.u32 $0x1, s6  }
.LBB1_4:
0xf: {  	s25 =	sshll.u32 s10, $0xA;
	s24 =	sshra.s32 s24, $0x2;
	s26 =	sshll.u32 s12, $0x3  }
0x10: {  	p1 =	sgt.s32 s11, $0x31;
	s27 =	smov.u32 s11;
	s28 =	sshra.s32 s11, $0x1F  }
0x11: {  	p2 =	sgt.s32 s12, $0x380;
	s31 =	sshra.s32 s12, $0x1F;
	s25 =	sand.u32 $0xFFFFE000, s25  }
0x12: {  	s26 =	sand.u32 $0xFFFFFC00, s26;
	s27 =	simm.s32 @!p1 $0x31;
	s28 =	sand.u32 s28, s11  }
0x13: {  	[tilespmem:s22+$0x2040 ss:$0x81] =	vst.msk $0xffff, v4;
	s23 =	sadd.s32 s24, s23;
	s29 =	sadd.s32 s26, s25;
	s25 =	ssub.s32 s27, s28  }
0x14: {  	[tilespmem:s22+$0x2850 ss:$0x81] =	vst.msk $0xffff, v3;
	s27 =	smov.u32 s12;
	s28 =	smov.u32 s10;
	s26 =	sand.u32 s31, s12  }
0x15: {  	[tilespmem:s22+$0x3060 ss:$0x81] =	vst.msk $0xffff, v2;
	s24 =	sshrl.u32 s29, $0xA;
	s30 =	sadd.s32 $0xFFFFFFCF, s25;
	s27 =	simm.s32 @!p2 $0x380  }
0x16: {  	v5 =	vld [tilespmem:s21+$0xFFFFFFD0];
	[tilespmem:s22+$0x0 ss:$0x81] =	vst.msk $0xffff, v1;
	p2 =	sgt.s32 s10, $0x368;
	s29 =	sshra.s32 s10, $0x1F;
	s22 =	ssub.s32 $0x32, s25  }
0x17: {  	v58 =	vld [tilespmem:s21+$0xFFFFFFE0];
	p1 =	sgt.s32 s30, $0x0;
	s28 =	simm.s32 @!p2 $0x368;
	s29 =	sand.u32 s29, s10  }
0x18: {  	v59 =	vld [tilespmem:s21+$0xFFFFFFF0];
	s26 =	ssub.s32 s27, s26;
	s27 =	smulhi.u32 $0x418938, s24;
	s28 =	ssub.s32 s28, s29  }
0x19: {  	v60 =	vld [tilespmem:s21+$0x0];
	s30 =	sadd.s32 $0xFFFFFC80, s26;
	s25 =	ssub.s32 $0x400, s26;
	s22 =	simm.s32 @p1 $0x0  }
0x1a: {  	v61 =	vld [tilespmem:s21+$0x10];
	[tilespmem:s23+$0x3870 ss:$0x81] =	vst.msk $0xffff, v0;
	s29 =	sand.u32 $0x78, s12;
	p2 =	sgt.s32 s30, $0x7F;
	s31 =	sadd.s32 $0xFFFFFC98, s28  }
0x1b: {  	v62 =	vld [tilespmem:s21+$0x20];
	[tilespmem:s23+$0x810 ss:$0x81] =	vst.msk $0xffff, v5;
	s27 =	smul.u32 $0x3E8, s27;
	s30 =	sshll.u32 s10, $0x7;
	s28 =	ssub.s32 $0x3E8, s28  }
0x1c: {  	v63 =	vld [tilespmem:s21+$0xFFFFFFC0];
	[tilespmem:s23+$0x1020 ss:$0x81] =	vst.msk $0xffff, v58;
	s25 =	simm.s32 @p2 $0x0;
	p1 =	sgt.s32 s31, $0x7F;
	s31 =	smul.u32 $0x1F400, s11  }
0x1d: {  	[tilespmem:s23+$0x1830 ss:$0x81] =	vst.msk $0xffff, v59;
	s21 =	sand.u32 $0x380, s30;
	s22 =	smul.u32 s25, s22;
	s28 =	simm.s32 @p1 $0x0  }
0x1e: {  	[tilespmem:s23+$0x2040 ss:$0x81] =	vst.msk $0xffff, v60;
	s21 =	sor.u32 s29, s21;
	s24 =	ssub.s32 s24, s27;
	s29 =	sand.u32 $0x7, s12  }
0x1f: {  	[tilespmem:s23+$0x2850 ss:$0x81] =	vst.msk $0xffff, v61;
	s21 =	sshrl.u32 s21, $0x3;
	s25 =	sadd.s32 s2, s31;
	s22 =	smul.u32 s28, s22  }
0x20: {  	[tilespmem:s23+$0x3060 ss:$0x81] =	vst.msk $0xffff, v62;
	s24 =	sshll.u32 s24, $0x7;
	s30 =	sshll.u32 s29, $0x12;
	s21 =	sadd.s32 s21, s25  }
0x21: {  	[tilespmem:s23+$0x0 ss:$0x81] =	vst.msk $0xffff, v63;
	s31 =	sor.u32 $0x400, s30;
	s21 =	sadd.s32 s24, s21;
	s22 =	sand.u32 $0x3FFFFFFF, s22  }
0x22: {  	[hbm4b:s21+s31] =	stream.strided.scatter [tilespmem:s20], [sflag:$0x2], s22, s9, s31, $0x20;
	[tilespmem:$0x10100] =	vst v63  }
.LBB1_5:
0x23: {  	p1 =	slt.u32 s16, $0x2  }
0x24: {  	p2 =	sgt.s32 @!p1 s19, $0x31  }
0x25: {  	s20 =	smov.u32 s19;
	s21 =	sshra.s32 @!p1 s19, $0x1F;
	p2 =	por !p2, p1  }
0x26: {  	s19 =	sand.u32 @!p1 s21, s19;
	s20 =	simm.s32 @p2 $0x31  }
0x27: {  	p3 =	sgt.s32 @!p1 s17, $0x368;
	s19 =	ssub.s32 @!p1 s20, s19  }
0x28: {  	p4 =	sgt.s32 @!p1 s18, $0x380;
	s22 =	sshra.s32 @!p1 s18, $0x1F;
	s20 =	sadd.s32 @!p1 $0xFFFFFFCF, s19  }
0x29: {  	s21 =	smov.u32 s17;
	p2 =	sgt.s32 @!p1 s20, $0x0;
	s20 =	sshra.s32 @!p1 s17, $0x1F  }
0x2a: {  	p4 =	por !p4, p1;
	s17 =	sand.u32 @!p1 s20, s17;
	s20 =	smov.u32 s18  }
0x2b: {  	p3 =	por !p3, p1;
	s18 =	sand.u32 @!p1 s22, s18;
	s20 =	simm.s32 @p4 $0x380  }
0x2c: {  	s21 =	simm.s32 @p3 $0x368;
	s19 =	ssub.s32 @!p1 $0x32, s19;
	s18 =	ssub.s32 @!p1 s20, s18  }
0x2d: {  	p2 =	por !p2, p1;
	s17 =	ssub.s32 @!p1 s21, s17;
	s21 =	sadd.s32 @!p1 $0xFFFFFC80, s18  }
0x2e: {  	s19 =	simm.s32 @!p2 $0x0;
	p3 =	sgt.s32 @!p1 s21, $0x7F  }
0x2f: {  	s20 =	sadd.s32 @!p1 $0xFFFFFC98, s17;
	s18 =	ssub.s32 @!p1 $0x400, s18;
	p3 =	por !p3, p1  }
0x30: {  	p2 =	sgt.s32 @!p1 s20, $0x7F;
	s20 =	sadd.s32 $0x200, s13;
	s18 =	simm.s32 @!p3 $0x0  }
0x31: {  	p3 =	sgt.s32 s20, $0x3E7;
	s18 =	smul.u32 @!p1 s18, s19;
	s19 =	simm.s32 $0x1  }
0x32: {  	s17 =	ssub.s32 @!p1 $0x3E8, s17;
	p2 =	por !p2, p1;
	s19 =	simm.s32 @!p3 $0x0  }
0x33: {  	s22 =	smov.u32 s15;
	s17 =	simm.s32 @!p2 $0x0;
	s21 =	sadd.s32 s19, s14  }
0x34: {  	s17 =	smul.u32 @!p1 s17, s18;
	s18 =	sadd.s32 $0x400, s15;
	p2 =	sgt.s32 s21, $0x31  }
0x35: {  	p0 =	por !p0, !p0;
	s23 =	simm.s32 @!p1 $0x2;
	s22 =	smov.u32 @p2 s18  }
0x36: {  	s20 =	smov.u32 @p3 s7;
	s21 =	simm.s32 @p2 $0x0;
	p2 =	sgt.s32 s22, $0x3FF  }
0x37: {  	s19 =	smov.u32 s11;
	s22 =	smov.u32 @p2 s3;
	p2 =	sne.s32 s16, s8  }
.Ltmp1:
0x38: {  	s11 =	smov.u32 s14;
	s17 =	sand.u32 @!p1 $0x3FFFFFFF, s17;
	(pc) =	sbr.rel @!p2 .LBB1_6-.Ltmp1, $4  }
0x39: {  	s18 =	smov.u32 s12;
	s12 =	smov.u32 s15;
	_ =	swait.ge @!p1 [sflag:s23], s17  }
0x3a: {  	s24 =	ssub.s32 @!p1 $0x0, s17;
	s17 =	smov.u32 s10;
	s10 =	smov.u32 s13  }
0x3b: {  	s13 =	smov.u32 s20;
	s14 =	smov.u32 s21;
	[sflag:s23] =	ssyncset.done @!p1 $0x0  }
0x3c: {  	s16 =	sadd.s32 $0x1, s16;
	[sflag:s23] =	ssyncadd.s32 @!p1 s24;
	s15 =	smov.u32 s22  }
.LBB1_1:
0x3d: {  	p1 =	sge.u32 s16, s6  }
0x3e: {  	s20 =	sshll.u32 @!p1 s14, $0xA  }
0x3f: {  	s21 =	sshll.u32 @!p1 s13, $0x3;
	s20 =	sand.u32 @!p1 $0xFFFFE000, s20  }
0x40: {  	s20 =	sadd.s32 @!p1 s20, s21  }
0x41: {  	s20 =	sshrl.u32 @!p1 s20, $0xA  }
0x42: {  	s21 =	smulhi.u32 @!p1 $0x4924925, s20  }
0x43: {  	s22 =	sshll.u32 @!p1 s14, $0x7;
	s24 =	smul.u32 @!p1 $0x1C00, s15  }
0x44: {  	s23 =	sand.u32 @!p1 $0x78, s13;
	s22 =	sand.u32 @!p1 $0x380, s22;
	s21 =	smul.u32 @!p1 $0x38, s21  }
0x45: {  	s31 =	sadd.s32 $0xFFFFFFFF, s16;
	s22 =	sor.u32 @!p1 s23, s22;
	s23 =	sadd.s32 @!p1 s4, s24  }
0x46: {  	s22 =	sshrl.u32 @!p1 s22, $0x3;
	s20 =	ssub.s32 @!p1 s20, s21;
	s21 =	sxor.u32 @!p1 $0xFFFFFFFF, s16  }
0x47: {  	s22 =	sadd.s32 @!p1 s22, s23;
	s23 =	sand.u32 @!p1 $0x7, s13;
	s21 =	sshll.u32 @!p1 s21, $0xE  }
0x48: {  	s23 =	sshll.u32 @!p1 s23, $0x12;
	s20 =	sshll.u32 @!p1 s20, $0x7;
	s21 =	sand.u32 @!p1 $0x4000, s21  }
0x49: {  	s20 =	sadd.s32 @!p1 s20, s22;
	s22 =	sor.u32 @!p1 $0x80, s23;
	s23 =	simm.s32 @!p1 $0xE000  }
0x4a: {  	[tilespmem:s21], [sflag:$0x1] =	stream.strided.gather @!p1 [hbm4b:s20+s22], $0x4000, s23, s22, $0x38;
	[tilespmem:$0x10100] =	vst v63  }
0x4b: {  	p1 =	sge.u32 s31, s6  }
.Ltmp2:
0x4c: {  	_ = 	snop;
	(pc) =	sbr.rel @p1 .LBB1_5-.Ltmp2, $1  }
0x4d: {  	_ =	sdelay $0x3  }
0x4e: {  	s20 =	simm.s32 $0x1  }
0x4f: {  	_ =	swait.ge [sflag:s5], $0x4000;
	s20 =	simm.s32 @!p0 $0x0  }
0x50: {  	[sflag:s5] =	ssyncset.done $0x0;
	s21 =	sshll.u32 s20, $0xE  }
0x51: {  	[sflag:s5] =	ssyncadd.s32 $0xFFFFC000;
	s21 =	sor.u32 $0x40, s21  }
0x52: {  	s20 =	smul.u32 $0x10200, s20;
	v0 =	vld [tilespmem:s21+$0x30]  }
0x53: {  	v1 =	vld [tilespmem:s21+$0xFFFFFFD0]  }
0x54: {  	s20 =	sshrl.u32 s20, $0x2;
	v5 =	vld [tilespmem:s21+$0xFFFFFFE0]  }
0x55: {  	v6 =	vld [tilespmem:s21+$0xFFFFFFF0];
	s23 =	sor.u32 $0x8000, s20  }
0x56: {  	s31 =	sand.u32 $0x1, s16;
	v4 =	vld [tilespmem:s21+$0x0];
	s22 =	sadd.s32 $0x0, s23  }
0x57: {  	v3 =	vld [tilespmem:s21+$0x10];
	s20 =	smul.u32 $0x10200, s31;
	[tilespmem:s22+$0x3870 ss:$0x81] =	vst.msk $0xffff, v0  }
0x58: {  	v2 =	vld [tilespmem:s21+$0x20];
	[tilespmem:s22+$0x810 ss:$0x81] =	vst.msk $0xffff, v1  }
0x59: {  	s20 =	sshrl.u32 s20, $0x2;
	v1 =	vld [tilespmem:s21+$0xFFFFFFC0];
	[tilespmem:s22+$0x1020 ss:$0x81] =	vst.msk $0xffff, v5;
	s21 =	sadd.s32 $0x80, s21  }
0x5a: {  	s24 =	simm.s32 $0x4;
	s25 =	simm.s32 $0x8;
	s20 =	sor.u32 $0x8000, s20;
	[tilespmem:s22+$0x1830 ss:$0x81] =	vst.msk $0xffff, v6;
	v0 =	vld [tilespmem:s21+$0x30]  }
.LBB1_3:
0x5b: {  	p1 =	sne.s32 s25, $0x1FC;
	v5 =	vld [tilespmem:s21+$0xFFFFFFD0];
	[tilespmem:s22+$0x2040 ss:$0x81] =	vst.msk $0xffff, v4  }
0x5c: {  	v6 =	vld [tilespmem:s21+$0xFFFFFFE0];
	[tilespmem:s22+$0x2850 ss:$0x81] =	vst.msk $0xffff, v3  }
0x5d: {  	s26 =	sshra.s32 s24, $0x2;
	s24 =	smov.u32 s25;
	v7 =	vld [tilespmem:s21+$0xFFFFFFF0];
	[tilespmem:s22+$0x3060 ss:$0x81] =	vst.msk $0xffff, v2  }
.Ltmp3:
0x5e: {  	v4 =	vld [tilespmem:s21+$0x0];
	[tilespmem:s22+$0x0 ss:$0x81] =	vst.msk $0xffff, v1;
	s22 =	sadd.s32 s26, s23;
	(pc) =	sbr.rel @p1 .LBB1_3-.Ltmp3, $4  }
0x5f: {  	v3 =	vld [tilespmem:s21+$0x10];
	[tilespmem:s22+$0x3870 ss:$0x81] =	vst.msk $0xffff, v0  }
0x60: {  	[tilespmem:s22+$0x810 ss:$0x81] =	vst.msk $0xffff, v5;
	v2 =	vld [tilespmem:s21+$0x20]  }
0x61: {  	v1 =	vld [tilespmem:s21+$0xFFFFFFC0];
	[tilespmem:s22+$0x1020 ss:$0x81] =	vst.msk $0xffff, v6;
	s21 =	sadd.s32 $0x80, s21  }
0x62: {  	s25 =	sadd.s32 $0x4, s25;
	v0 =	vld [tilespmem:s21+$0x30];
	[tilespmem:s22+$0x1830 ss:$0x81] =	vst.msk $0xffff, v7  }
.Ltmp4:
0x63: {  	_ = 	snop;
	(pc) =	sbr.rel .LBB1_4-.Ltmp4, $1  }
0x64: {  	_ =	sdelay $0x3  }
.LBB1_6:
0x65: {  	_ =	sfence.sel $0x180000  }
0x66: {  	s2 =	simm.s32 $0x1;
	[bflag:$0x0] =	sbarrier.arrive $0xFFFF  }
0x67: {  	s31 =	simm.s32 $0x2;
	[sflag:s2] =	ssyncpa.u1 $0x1  }
0x68: {  	[sflag:s31] =	ssyncpa.u1 $0x1  }
0x69: {  	p0 =	sne.s32 s0, $0x0;
	_ =	strace $0x9000004A  }
0x6a: {  	s0 =	sadd.s32 @!p0 $0x100000, s1;
	[bflag:$0x2] =	sbarrier.arrive $0xFFFF  }
0x6b: {  	[sflag:s0] =	ssyncadd.tile.s32 @!p0 $0x1;
	_ =	shalt  }
.Lfunc_end1:
_tile_overlayer_lowered:
.L_overlay_start_2:
0x6c: {  	(tag) =	ssettag $0x2  }
0x6d: {  	s0 =	rddreg [dreg:$0x0];
	s2 =	stileid.u32  }
0x6e: {  	s1 =	rddreg [dreg:$0x1];
	p0 =	sne.s32 s2, $0x0  }
0x6f: {  	s3 =	rddreg [dreg:$0x2];
	[bflag:$0x3] =	sbarrier.arrive $0xFFFF;
	s2 =	simm.s32 @!p0 $0x1C01  }
0x70: {  	[timem:s3], [sflag:s2] =	dma.local @!p0 [hbm:s0], s1  }
0x71: {  	s0 =	simm.s32 @!p0 $0x1  }
0x72: {  	_ =	swait.ge @!p0 [sflag:s0], s1  }
0x73: {  	s1 =	ssub.s32 @!p0 $0x0, s1;
	[sflag:s0] =	ssyncset.done @!p0 $0x0  }
0x74: {  	[sflag:s0] =	ssyncadd.s32 @!p0 s1  }
0x75: {  	[bflag:$0x3] =	sbarrier.arrive $0xFFFF  }
0x76: {  	_ =	shalt  }

</sc_bundles>
